<compile_context>
chip_gen: v7x
topology: tpu7x:2x2x1
jax: 0.10.2.dev20260603
libtpu: 0.0.44.dev20260713+nightly
codegen_flags: <defaults>
</compile_context>

<pallas_src>
import jax
import jax.numpy as jnp
from jax.experimental import pallas as pl
from jax.experimental.pallas import tpu as pltpu

B, CIN, COUT, H, W, K = 2, 96, 96, 384, 384, 3
G = 12
TH = 16
NB = H // TH
N = TH * W


def _conv_body(w_ref, b_ref, x_ref, m_ref, o_ref, xs_ref):
    i = pl.program_id(1)

    for t in range(TH + 2):
        xs_ref[:, t * W:(t + 1) * W] = (
            x_ref[:, t].reshape(CIN, W).astype(jnp.bfloat16))

    @pl.when(i == 0)
    def _():
        for t in range(TH + 1, 0, -1):
            xs_ref[:, t * W:(t + 1) * W] = (
                x_ref[:, t - 1].reshape(CIN, W).astype(jnp.bfloat16))
        xs_ref[:, 0:W] = jnp.zeros((CIN, W), jnp.bfloat16)

    @pl.when(i == NB - 1)
    def _():
        xs_ref[:, (TH + 1) * W:] = jnp.zeros((CIN, W), jnp.bfloat16)

    col = jax.lax.broadcasted_iota(jnp.int32, (1, N), 1) % W
    acc = jnp.zeros((COUT, N), jnp.float32)
    for ky in range(K):
        a = xs_ref[:, ky * W: ky * W + N]
        for kx in range(K):
            if kx == 0:
                src = jnp.where(col == 0, jnp.bfloat16(0),
                                pltpu.roll(a, 1, axis=1))
            elif kx == 2:
                src = jnp.where(col == W - 1, jnp.bfloat16(0),
                                pltpu.roll(a, N - 1, axis=1))
            else:
                src = a
            acc = acc + jnp.dot(w_ref[ky * K + kx], src,
                                preferred_element_type=jnp.float32)

    m = m_ref[0].reshape(1, N).astype(jnp.float32)
    res = (acc + b_ref[...]) * m
    for t in range(TH):
        o_ref[:, t] = res[:, t * W:(t + 1) * W].reshape(G, 8, W)


@jax.jit
def kernel(x, mask, weight, bias):
    xg = (x.reshape(B, G, 8, H, W)
          .transpose(0, 1, 3, 2, 4)
          .reshape(B * G, H, 8, W))
    mg = mask.reshape(B, H, W)
    wt = (weight.transpose(2, 3, 0, 1)
          .reshape(K * K, COUT, CIN).astype(jnp.bfloat16))
    b2 = bias.reshape(COUT, 1)

    out = pl.pallas_call(
        _conv_body,
        grid=(B, NB),
        in_specs=[
            pl.BlockSpec((K * K, COUT, CIN), lambda b, i: (0, 0, 0)),
            pl.BlockSpec((COUT, 1), lambda b, i: (0, 0)),
            pl.BlockSpec(
                (pl.Element(G), pl.Element(TH + 2, (0, 1)),
                 pl.Element(8), pl.Element(W)),
                lambda b, i: (b * G, jnp.maximum(i * TH - 1, 0), 0, 0)),
            pl.BlockSpec((1, TH, W), lambda b, i: (b, i, 0)),
        ],
        out_specs=pl.BlockSpec((G, TH, 8, W), lambda b, i: (b, i, 0, 0)),
        out_shape=jax.ShapeDtypeStruct((B * G, H, 8, W), jnp.float32),
        scratch_shapes=[pltpu.VMEM((CIN, (TH + 2) * W), jnp.bfloat16)],
        compiler_params=pltpu.CompilerParams(
            dimension_semantics=("parallel", "arbitrary")),
    )(wt, b2, xg, mg)

    return (out.reshape(B, G, H, 8, W)
            .transpose(0, 1, 3, 2, 4)
            .reshape(B, COUT, H, W))

# --- scband reference (transcript-rebuilt; emitter-appended) ---
"""Pipeline reference for scband-mask-conv2d-35845797053219 (READ-ONLY COPY).

The authoritative reference and input builder live on the scoring server;
editing this copy changes nothing except your own understanding.
"""

import jax, jax.numpy as jnp
import numpy as np

B, CIN, COUT, H, W, K = 2, 96, 96, 384, 384, 3

def setup_inputs(seed: int = 0):
    key = jax.random.key(seed)
    k1, k2, k3, k4 = jax.random.split(key, 4)
    x = jax.random.normal(k1, (B, CIN, H, W), dtype=jnp.float32)
    mask = jax.random.randint(k2, (B, 1, H, W), 0, 2).astype(jnp.int32)
    fan_in = CIN * K * K
    bound = 1.0 / np.sqrt(fan_in)
    weight = jax.random.uniform(k3, (COUT, CIN, K, K), minval=-bound, maxval=bound, dtype=jnp.float32)
    bias = jax.random.uniform(k4, (COUT,), minval=-bound, maxval=bound, dtype=jnp.float32)
    return {"x": x, "mask": mask, "weight": weight, "bias": bias}

def reference(x, mask, weight, bias):
    # Faithful math of MaskConv2d: conv output computed only at mask==1 positions,
    # zeros elsewhere. Equivalent to (conv2d(x, W) + b) * mask since output is
    # scattered into a zero tensor at masked locations.
    out = jax.lax.conv_general_dilated(
        x, weight,
        window_strides=(1, 1),
        padding=((1, 1), (1, 1)),
        dimension_numbers=("NCHW", "OIHW", "NCHW"),
    )
    out = out + bias[None, :, None, None]
    out = out * mask.astype(out.dtype)
    return out

if __name__ == "__main__":
    import jax
    _d = setup_inputs()
    print(jax.jit(kernel)(*tuple(_d.values())))

</pallas_src>

<mosaic_0001>
module attributes {stable_mosaic.version = 14 : i64} {
  func.func @_conv_body(%arg0: i32, %arg1: i32, %arg2: memref<9x96x96xbf16, #tpu.memory_space<vmem>>, %arg3: memref<96x1xf32, #tpu.memory_space<vmem>>, %arg4: memref<12x18x8x384xf32, #tpu.memory_space<vmem>>, %arg5: memref<1x16x384xi32, #tpu.memory_space<vmem>>, %arg6: memref<12x16x8x384xf32, #tpu.memory_space<vmem>>, %arg7: memref<96x6912xbf16, #tpu.memory_space<vmem>>) attributes {dimension_semantics = [#tpu.dimension_semantics<parallel>, #tpu.dimension_semantics<arbitrary>], iteration_bounds = array<i64: 2, 24>, scalar_prefetch = 0 : i64, scratch_operands = 1 : i64, tpu.core_type = #tpu.core_type<tc>, window_params = [{pipeline_mode = #tpu.pipeline_mode<synchronous>, transform_indices = @transform_0, window_bounds = array<i64: 9, 96, 96>}, {pipeline_mode = #tpu.pipeline_mode<synchronous>, transform_indices = @transform_1, window_bounds = array<i64: 96, 1>}, {transform_indices = @transform_2, window_bounds = array<i64: 12, 18, 8, 384>, window_kind = #tpu.element_window<[0, 0, 0, 0], [0, 1, 0, 0]>}, {transform_indices = @transform_3, window_bounds = array<i64: 1, 16, 384>}, {transform_indices = @transform_4, window_bounds = array<i64: 12, 16, 8, 384>}]} {
    %get3A = arith.constant 0 : index
    %get3A_0 = arith.constant 0 : index
    %get3A_1 = arith.constant 0 : index
    %get3A_2 = arith.constant 0 : index
    %get3A_3 = vector.load %arg4[%get3A, %get3A_0, %get3A_1, %get3A_2] : memref<12x18x8x384xf32, #tpu.memory_space<vmem>>, vector<12x1x8x384xf32>
    %get3A_4 = vector.shape_cast %get3A_3 : vector<12x1x8x384xf32> to vector<12x8x384xf32>
    %reshape3A = vector.shape_cast %get3A_4 : vector<12x8x384xf32> to vector<96x384xf32>
    %convert_element_type3A = arith.truncf %reshape3A : vector<96x384xf32> to vector<96x384xbf16>
    %swap3A = arith.constant 0 : index
    %swap3A_5 = arith.constant 0 : index
    %swap3A_6 = vector.load %arg7[%swap3A, %swap3A_5] : memref<96x6912xbf16, #tpu.memory_space<vmem>>, vector<96x384xbf16>
    tpu.vector_store %arg7[%swap3A, %swap3A_5], %convert_element_type3A {strides = array<i32>} : memref<96x6912xbf16, #tpu.memory_space<vmem>>, vector<96x384xbf16>,
    %get3A_7 = arith.constant 0 : index
    %get3A_8 = arith.constant 1 : index
    %get3A_9 = arith.constant 0 : index
    %get3A_10 = arith.constant 0 : index
    %get3A_11 = vector.load %arg4[%get3A_7, %get3A_8, %get3A_9, %get3A_10] : memref<12x18x8x384xf32, #tpu.memory_space<vmem>>, vector<12x1x8x384xf32>
    %get3A_12 = vector.shape_cast %get3A_11 : vector<12x1x8x384xf32> to vector<12x8x384xf32>
    %reshape3A_13 = vector.shape_cast %get3A_12 : vector<12x8x384xf32> to vector<96x384xf32>
    %convert_element_type3A_14 = arith.truncf %reshape3A_13 : vector<96x384xf32> to vector<96x384xbf16>
    %swap3A_15 = arith.constant 0 : index
    %swap3A_16 = arith.constant 384 : index
    %swap3A_17 = vector.load %arg7[%swap3A_15, %swap3A_16] : memref<96x6912xbf16, #tpu.memory_space<vmem>>, vector<96x384xbf16>
    tpu.vector_store %arg7[%swap3A_15, %swap3A_16], %convert_element_type3A_14 {strides = array<i32>} : memref<96x6912xbf16, #tpu.memory_space<vmem>>, vector<96x384xbf16>,
    %get3A_18 = arith.constant 0 : index
    %get3A_19 = arith.constant 2 : index
    %get3A_20 = arith.constant 0 : index
    %get3A_21 = arith.constant 0 : index
    %get3A_22 = vector.load %arg4[%get3A_18, %get3A_19, %get3A_20, %get3A_21] : memref<12x18x8x384xf32, #tpu.memory_space<vmem>>, vector<12x1x8x384xf32>
    %get3A_23 = vector.shape_cast %get3A_22 : vector<12x1x8x384xf32> to vector<12x8x384xf32>
    %reshape3A_24 = vector.shape_cast %get3A_23 : vector<12x8x384xf32> to vector<96x384xf32>
    %convert_element_type3A_25 = arith.truncf %reshape3A_24 : vector<96x384xf32> to vector<96x384xbf16>
    %swap3A_26 = arith.constant 0 : index
    %swap3A_27 = arith.constant 768 : index
    %swap3A_28 = vector.load %arg7[%swap3A_26, %swap3A_27] : memref<96x6912xbf16, #tpu.memory_space<vmem>>, vector<96x384xbf16>
    tpu.vector_store %arg7[%swap3A_26, %swap3A_27], %convert_element_type3A_25 {strides = array<i32>} : memref<96x6912xbf16, #tpu.memory_space<vmem>>, vector<96x384xbf16>,
    %get3A_29 = arith.constant 0 : index
    %get3A_30 = arith.constant 3 : index
    %get3A_31 = arith.constant 0 : index
    %get3A_32 = arith.constant 0 : index
    %get3A_33 = vector.load %arg4[%get3A_29, %get3A_30, %get3A_31, %get3A_32] : memref<12x18x8x384xf32, #tpu.memory_space<vmem>>, vector<12x1x8x384xf32>
    %get3A_34 = vector.shape_cast %get3A_33 : vector<12x1x8x384xf32> to vector<12x8x384xf32>
    %reshape3A_35 = vector.shape_cast %get3A_34 : vector<12x8x384xf32> to vector<96x384xf32>
    %convert_element_type3A_36 = arith.truncf %reshape3A_35 : vector<96x384xf32> to vector<96x384xbf16>
    %swap3A_37 = arith.constant 0 : index
    %swap3A_38 = arith.constant 1152 : index
    %swap3A_39 = vector.load %arg7[%swap3A_37, %swap3A_38] : memref<96x6912xbf16, #tpu.memory_space<vmem>>, vector<96x384xbf16>
    tpu.vector_store %arg7[%swap3A_37, %swap3A_38], %convert_element_type3A_36 {strides = array<i32>} : memref<96x6912xbf16, #tpu.memory_space<vmem>>, vector<96x384xbf16>,
    %get3A_40 = arith.constant 0 : index
    %get3A_41 = arith.constant 4 : index
    %get3A_42 = arith.constant 0 : index
    %get3A_43 = arith.constant 0 : index
    %get3A_44 = vector.load %arg4[%get3A_40, %get3A_41, %get3A_42, %get3A_43] : memref<12x18x8x384xf32, #tpu.memory_space<vmem>>, vector<12x1x8x384xf32>
    %get3A_45 = vector.shape_cast %get3A_44 : vector<12x1x8x384xf32> to vector<12x8x384xf32>
    %reshape3A_46 = vector.shape_cast %get3A_45 : vector<12x8x384xf32> to vector<96x384xf32>
    %convert_element_type3A_47 = arith.truncf %reshape3A_46 : vector<96x384xf32> to vector<96x384xbf16>
    %swap3A_48 = arith.constant 0 : index
    %swap3A_49 = arith.constant 1536 : index
    %swap3A_50 = vector.load %arg7[%swap3A_48, %swap3A_49] : memref<96x6912xbf16, #tpu.memory_space<vmem>>, vector<96x384xbf16>
    tpu.vector_store %arg7[%swap3A_48, %swap3A_49], %convert_element_type3A_47 {strides = array<i32>} : memref<96x6912xbf16, #tpu.memory_space<vmem>>, vector<96x384xbf16>,
    %get3A_51 = arith.constant 0 : index
    %get3A_52 = arith.constant 5 : index
    %get3A_53 = arith.constant 0 : index
    %get3A_54 = arith.constant 0 : index
    %get3A_55 = vector.load %arg4[%get3A_51, %get3A_52, %get3A_53, %get3A_54] : memref<12x18x8x384xf32, #tpu.memory_space<vmem>>, vector<12x1x8x384xf32>
    %get3A_56 = vector.shape_cast %get3A_55 : vector<12x1x8x384xf32> to vector<12x8x384xf32>
    %reshape3A_57 = vector.shape_cast %get3A_56 : vector<12x8x384xf32> to vector<96x384xf32>
    %convert_element_type3A_58 = arith.truncf %reshape3A_57 : vector<96x384xf32> to vector<96x384xbf16>
    %swap3A_59 = arith.constant 0 : index
    %swap3A_60 = arith.constant 1920 : index
    %swap3A_61 = vector.load %arg7[%swap3A_59, %swap3A_60] : memref<96x6912xbf16, #tpu.memory_space<vmem>>, vector<96x384xbf16>
    tpu.vector_store %arg7[%swap3A_59, %swap3A_60], %convert_element_type3A_58 {strides = array<i32>} : memref<96x6912xbf16, #tpu.memory_space<vmem>>, vector<96x384xbf16>,
    %get3A_62 = arith.constant 0 : index
    %get3A_63 = arith.constant 6 : index
    %get3A_64 = arith.constant 0 : index
    %get3A_65 = arith.constant 0 : index
    %get3A_66 = vector.load %arg4[%get3A_62, %get3A_63, %get3A_64, %get3A_65] : memref<12x18x8x384xf32, #tpu.memory_space<vmem>>, vector<12x1x8x384xf32>
    %get3A_67 = vector.shape_cast %get3A_66 : vector<12x1x8x384xf32> to vector<12x8x384xf32>
    %reshape3A_68 = vector.shape_cast %get3A_67 : vector<12x8x384xf32> to vector<96x384xf32>
    %convert_element_type3A_69 = arith.truncf %reshape3A_68 : vector<96x384xf32> to vector<96x384xbf16>
    %swap3A_70 = arith.constant 0 : index
    %swap3A_71 = arith.constant 2304 : index
    %swap3A_72 = vector.load %arg7[%swap3A_70, %swap3A_71] : memref<96x6912xbf16, #tpu.memory_space<vmem>>, vector<96x384xbf16>
    tpu.vector_store %arg7[%swap3A_70, %swap3A_71], %convert_element_type3A_69 {strides = array<i32>} : memref<96x6912xbf16, #tpu.memory_space<vmem>>, vector<96x384xbf16>,
    %get3A_73 = arith.constant 0 : index
    %get3A_74 = arith.constant 7 : index
    %get3A_75 = arith.constant 0 : index
    %get3A_76 = arith.constant 0 : index
    %get3A_77 = vector.load %arg4[%get3A_73, %get3A_74, %get3A_75, %get3A_76] : memref<12x18x8x384xf32, #tpu.memory_space<vmem>>, vector<12x1x8x384xf32>
    %get3A_78 = vector.shape_cast %get3A_77 : vector<12x1x8x384xf32> to vector<12x8x384xf32>
    %reshape3A_79 = vector.shape_cast %get3A_78 : vector<12x8x384xf32> to vector<96x384xf32>
    %convert_element_type3A_80 = arith.truncf %reshape3A_79 : vector<96x384xf32> to vector<96x384xbf16>
    %swap3A_81 = arith.constant 0 : index
    %swap3A_82 = arith.constant 2688 : index
    %swap3A_83 = vector.load %arg7[%swap3A_81, %swap3A_82] : memref<96x6912xbf16, #tpu.memory_space<vmem>>, vector<96x384xbf16>
    tpu.vector_store %arg7[%swap3A_81, %swap3A_82], %convert_element_type3A_80 {strides = array<i32>} : memref<96x6912xbf16, #tpu.memory_space<vmem>>, vector<96x384xbf16>,
    %get3A_84 = arith.constant 0 : index
    %get3A_85 = arith.constant 8 : index
    %get3A_86 = arith.constant 0 : index
    %get3A_87 = arith.constant 0 : index
    %get3A_88 = vector.load %arg4[%get3A_84, %get3A_85, %get3A_86, %get3A_87] : memref<12x18x8x384xf32, #tpu.memory_space<vmem>>, vector<12x1x8x384xf32>
    %get3A_89 = vector.shape_cast %get3A_88 : vector<12x1x8x384xf32> to vector<12x8x384xf32>
    %reshape3A_90 = vector.shape_cast %get3A_89 : vector<12x8x384xf32> to vector<96x384xf32>
    %convert_element_type3A_91 = arith.truncf %reshape3A_90 : vector<96x384xf32> to vector<96x384xbf16>
    %swap3A_92 = arith.constant 0 : index
    %swap3A_93 = arith.constant 3072 : index
    %swap3A_94 = vector.load %arg7[%swap3A_92, %swap3A_93] : memref<96x6912xbf16, #tpu.memory_space<vmem>>, vector<96x384xbf16>
    tpu.vector_store %arg7[%swap3A_92, %swap3A_93], %convert_element_type3A_91 {strides = array<i32>} : memref<96x6912xbf16, #tpu.memory_space<vmem>>, vector<96x384xbf16>,
    %get3A_95 = arith.constant 0 : index
    %get3A_96 = arith.constant 9 : index
    %get3A_97 = arith.constant 0 : index
    %get3A_98 = arith.constant 0 : index
    %get3A_99 = vector.load %arg4[%get3A_95, %get3A_96, %get3A_97, %get3A_98] : memref<12x18x8x384xf32, #tpu.memory_space<vmem>>, vector<12x1x8x384xf32>
    %get3A_100 = vector.shape_cast %get3A_99 : vector<12x1x8x384xf32> to vector<12x8x384xf32>
    %reshape3A_101 = vector.shape_cast %get3A_100 : vector<12x8x384xf32> to vector<96x384xf32>
    %convert_element_type3A_102 = arith.truncf %reshape3A_101 : vector<96x384xf32> to vector<96x384xbf16>
    %swap3A_103 = arith.constant 0 : index
    %swap3A_104 = arith.constant 3456 : index
    %swap3A_105 = vector.load %arg7[%swap3A_103, %swap3A_104] : memref<96x6912xbf16, #tpu.memory_space<vmem>>, vector<96x384xbf16>
    tpu.vector_store %arg7[%swap3A_103, %swap3A_104], %convert_element_type3A_102 {strides = array<i32>} : memref<96x6912xbf16, #tpu.memory_space<vmem>>, vector<96x384xbf16>,
    %get3A_106 = arith.constant 0 : index
    %get3A_107 = arith.constant 10 : index
    %get3A_108 = arith.constant 0 : index
    %get3A_109 = arith.constant 0 : index
    %get3A_110 = vector.load %arg4[%get3A_106, %get3A_107, %get3A_108, %get3A_109] : memref<12x18x8x384xf32, #tpu.memory_space<vmem>>, vector<12x1x8x384xf32>
    %get3A_111 = vector.shape_cast %get3A_110 : vector<12x1x8x384xf32> to vector<12x8x384xf32>
    %reshape3A_112 = vector.shape_cast %get3A_111 : vector<12x8x384xf32> to vector<96x384xf32>
    %convert_element_type3A_113 = arith.truncf %reshape3A_112 : vector<96x384xf32> to vector<96x384xbf16>
    %swap3A_114 = arith.constant 0 : index
    %swap3A_115 = arith.constant 3840 : index
    %swap3A_116 = vector.load %arg7[%swap3A_114, %swap3A_115] : memref<96x6912xbf16, #tpu.memory_space<vmem>>, vector<96x384xbf16>
    tpu.vector_store %arg7[%swap3A_114, %swap3A_115], %convert_element_type3A_113 {strides = array<i32>} : memref<96x6912xbf16, #tpu.memory_space<vmem>>, vector<96x384xbf16>,
    %get3A_117 = arith.constant 0 : index
    %get3A_118 = arith.constant 11 : index
    %get3A_119 = arith.constant 0 : index
    %get3A_120 = arith.constant 0 : index
    %get3A_121 = vector.load %arg4[%get3A_117, %get3A_118, %get3A_119, %get3A_120] : memref<12x18x8x384xf32, #tpu.memory_space<vmem>>, vector<12x1x8x384xf32>
    %get3A_122 = vector.shape_cast %get3A_121 : vector<12x1x8x384xf32> to vector<12x8x384xf32>
    %reshape3A_123 = vector.shape_cast %get3A_122 : vector<12x8x384xf32> to vector<96x384xf32>
    %convert_element_type3A_124 = arith.truncf %reshape3A_123 : vector<96x384xf32> to vector<96x384xbf16>
    %swap3A_125 = arith.constant 0 : index
    %swap3A_126 = arith.constant 4224 : index
    %swap3A_127 = vector.load %arg7[%swap3A_125, %swap3A_126] : memref<96x6912xbf16, #tpu.memory_space<vmem>>, vector<96x384xbf16>
    tpu.vector_store %arg7[%swap3A_125, %swap3A_126], %convert_element_type3A_124 {strides = array<i32>} : memref<96x6912xbf16, #tpu.memory_space<vmem>>, vector<96x384xbf16>,
    %get3A_128 = arith.constant 0 : index
    %get3A_129 = arith.constant 12 : index
    %get3A_130 = arith.constant 0 : index
    %get3A_131 = arith.constant 0 : index
    %get3A_132 = vector.load %arg4[%get3A_128, %get3A_129, %get3A_130, %get3A_131] : memref<12x18x8x384xf32, #tpu.memory_space<vmem>>, vector<12x1x8x384xf32>
    %get3A_133 = vector.shape_cast %get3A_132 : vector<12x1x8x384xf32> to vector<12x8x384xf32>
    %reshape3A_134 = vector.shape_cast %get3A_133 : vector<12x8x384xf32> to vector<96x384xf32>
    %convert_element_type3A_135 = arith.truncf %reshape3A_134 : vector<96x384xf32> to vector<96x384xbf16>
    %swap3A_136 = arith.constant 0 : index
    %swap3A_137 = arith.constant 4608 : index
    %swap3A_138 = vector.load %arg7[%swap3A_136, %swap3A_137] : memref<96x6912xbf16, #tpu.memory_space<vmem>>, vector<96x384xbf16>
    tpu.vector_store %arg7[%swap3A_136, %swap3A_137], %convert_element_type3A_135 {strides = array<i32>} : memref<96x6912xbf16, #tpu.memory_space<vmem>>, vector<96x384xbf16>,
    %get3A_139 = arith.constant 0 : index
    %get3A_140 = arith.constant 13 : index
    %get3A_141 = arith.constant 0 : index
    %get3A_142 = arith.constant 0 : index
    %get3A_143 = vector.load %arg4[%get3A_139, %get3A_140, %get3A_141, %get3A_142] : memref<12x18x8x384xf32, #tpu.memory_space<vmem>>, vector<12x1x8x384xf32>
    %get3A_144 = vector.shape_cast %get3A_143 : vector<12x1x8x384xf32> to vector<12x8x384xf32>
    %reshape3A_145 = vector.shape_cast %get3A_144 : vector<12x8x384xf32> to vector<96x384xf32>
    %convert_element_type3A_146 = arith.truncf %reshape3A_145 : vector<96x384xf32> to vector<96x384xbf16>
    %swap3A_147 = arith.constant 0 : index
    %swap3A_148 = arith.constant 4992 : index
    %swap3A_149 = vector.load %arg7[%swap3A_147, %swap3A_148] : memref<96x6912xbf16, #tpu.memory_space<vmem>>, vector<96x384xbf16>
    tpu.vector_store %arg7[%swap3A_147, %swap3A_148], %convert_element_type3A_146 {strides = array<i32>} : memref<96x6912xbf16, #tpu.memory_space<vmem>>, vector<96x384xbf16>,
    %get3A_150 = arith.constant 0 : index
    %get3A_151 = arith.constant 14 : index
    %get3A_152 = arith.constant 0 : index
    %get3A_153 = arith.constant 0 : index
    %get3A_154 = vector.load %arg4[%get3A_150, %get3A_151, %get3A_152, %get3A_153] : memref<12x18x8x384xf32, #tpu.memory_space<vmem>>, vector<12x1x8x384xf32>
    %get3A_155 = vector.shape_cast %get3A_154 : vector<12x1x8x384xf32> to vector<12x8x384xf32>
    %reshape3A_156 = vector.shape_cast %get3A_155 : vector<12x8x384xf32> to vector<96x384xf32>
    %convert_element_type3A_157 = arith.truncf %reshape3A_156 : vector<96x384xf32> to vector<96x384xbf16>
    %swap3A_158 = arith.constant 0 : index
    %swap3A_159 = arith.constant 5376 : index
    %swap3A_160 = vector.load %arg7[%swap3A_158, %swap3A_159] : memref<96x6912xbf16, #tpu.memory_space<vmem>>, vector<96x384xbf16>
    tpu.vector_store %arg7[%swap3A_158, %swap3A_159], %convert_element_type3A_157 {strides = array<i32>} : memref<96x6912xbf16, #tpu.memory_space<vmem>>, vector<96x384xbf16>,
    %get3A_161 = arith.constant 0 : index
    %get3A_162 = arith.constant 15 : index
    %get3A_163 = arith.constant 0 : index
    %get3A_164 = arith.constant 0 : index
    %get3A_165 = vector.load %arg4[%get3A_161, %get3A_162, %get3A_163, %get3A_164] : memref<12x18x8x384xf32, #tpu.memory_space<vmem>>, vector<12x1x8x384xf32>
    %get3A_166 = vector.shape_cast %get3A_165 : vector<12x1x8x384xf32> to vector<12x8x384xf32>
    %reshape3A_167 = vector.shape_cast %get3A_166 : vector<12x8x384xf32> to vector<96x384xf32>
    %convert_element_type3A_168 = arith.truncf %reshape3A_167 : vector<96x384xf32> to vector<96x384xbf16>
    %swap3A_169 = arith.constant 0 : index
    %swap3A_170 = arith.constant 5760 : index
    %swap3A_171 = vector.load %arg7[%swap3A_169, %swap3A_170] : memref<96x6912xbf16, #tpu.memory_space<vmem>>, vector<96x384xbf16>
    tpu.vector_store %arg7[%swap3A_169, %swap3A_170], %convert_element_type3A_168 {strides = array<i32>} : memref<96x6912xbf16, #tpu.memory_space<vmem>>, vector<96x384xbf16>,
    %get3A_172 = arith.constant 0 : index
    %get3A_173 = arith.constant 16 : index
    %get3A_174 = arith.constant 0 : index
    %get3A_175 = arith.constant 0 : index
    %get3A_176 = vector.load %arg4[%get3A_172, %get3A_173, %get3A_174, %get3A_175] : memref<12x18x8x384xf32, #tpu.memory_space<vmem>>, vector<12x1x8x384xf32>
    %get3A_177 = vector.shape_cast %get3A_176 : vector<12x1x8x384xf32> to vector<12x8x384xf32>
    %reshape3A_178 = vector.shape_cast %get3A_177 : vector<12x8x384xf32> to vector<96x384xf32>
    %convert_element_type3A_179 = arith.truncf %reshape3A_178 : vector<96x384xf32> to vector<96x384xbf16>
    %swap3A_180 = arith.constant 0 : index
    %swap3A_181 = arith.constant 6144 : index
    %swap3A_182 = vector.load %arg7[%swap3A_180, %swap3A_181] : memref<96x6912xbf16, #tpu.memory_space<vmem>>, vector<96x384xbf16>
    tpu.vector_store %arg7[%swap3A_180, %swap3A_181], %convert_element_type3A_179 {strides = array<i32>} : memref<96x6912xbf16, #tpu.memory_space<vmem>>, vector<96x384xbf16>,
    %get3A_183 = arith.constant 0 : index
    %get3A_184 = arith.constant 17 : index
    %get3A_185 = arith.constant 0 : index
    %get3A_186 = arith.constant 0 : index
    %get3A_187 = vector.load %arg4[%get3A_183, %get3A_184, %get3A_185, %get3A_186] : memref<12x18x8x384xf32, #tpu.memory_space<vmem>>, vector<12x1x8x384xf32>
    %get3A_188 = vector.shape_cast %get3A_187 : vector<12x1x8x384xf32> to vector<12x8x384xf32>
    %reshape3A_189 = vector.shape_cast %get3A_188 : vector<12x8x384xf32> to vector<96x384xf32>
    %convert_element_type3A_190 = arith.truncf %reshape3A_189 : vector<96x384xf32> to vector<96x384xbf16>
    %swap3A_191 = arith.constant 0 : index
    %swap3A_192 = arith.constant 6528 : index
    %swap3A_193 = vector.load %arg7[%swap3A_191, %swap3A_192] : memref<96x6912xbf16, #tpu.memory_space<vmem>>, vector<96x384xbf16>
    tpu.vector_store %arg7[%swap3A_191, %swap3A_192], %convert_element_type3A_190 {strides = array<i32>} : memref<96x6912xbf16, #tpu.memory_space<vmem>>, vector<96x384xbf16>,
    %eq3A = arith.constant 0 : i32
    %eq3A_194 = arith.cmpi eq, %arg1, %eq3A : i32
    %convert_element_type3A_195 = arith.extui %eq3A_194 : i1 to i32
    %cond3A = arith.constant 0 : i32
    %cond3A_196 = arith.cmpi ne, %convert_element_type3A_195, %cond3A : i32
    scf.if %cond3A_196 {
      %get3A_513 = arith.constant 0 : index
      %get3A_514 = arith.constant 16 : index
      %get3A_515 = arith.constant 0 : index
      %get3A_516 = arith.constant 0 : index
      %get3A_517 = vector.load %arg4[%get3A_513, %get3A_514, %get3A_515, %get3A_516] : memref<12x18x8x384xf32, #tpu.memory_space<vmem>>, vector<12x1x8x384xf32>
      %get3A_518 = vector.shape_cast %get3A_517 : vector<12x1x8x384xf32> to vector<12x8x384xf32>
      %reshape3A_519 = vector.shape_cast %get3A_518 : vector<12x8x384xf32> to vector<96x384xf32>
      %convert_element_type3A_520 = arith.truncf %reshape3A_519 : vector<96x384xf32> to vector<96x384xbf16>
      %swap3A_521 = arith.constant 0 : index
      %swap3A_522 = arith.constant 6528 : index
      %swap3A_523 = vector.load %arg7[%swap3A_521, %swap3A_522] : memref<96x6912xbf16, #tpu.memory_space<vmem>>, vector<96x384xbf16>
      tpu.vector_store %arg7[%swap3A_521, %swap3A_522], %convert_element_type3A_520 {strides = array<i32>} : memref<96x6912xbf16, #tpu.memory_space<vmem>>, vector<96x384xbf16>,
      %get3A_524 = arith.constant 0 : index
      %get3A_525 = arith.constant 15 : index
      %get3A_526 = arith.constant 0 : index
      %get3A_527 = arith.constant 0 : index
      %get3A_528 = vector.load %arg4[%get3A_524, %get3A_525, %get3A_526, %get3A_527] : memref<12x18x8x384xf32, #tpu.memory_space<vmem>>, vector<12x1x8x384xf32>
      %get3A_529 = vector.shape_cast %get3A_528 : vector<12x1x8x384xf32> to vector<12x8x384xf32>
      %reshape3A_530 = vector.shape_cast %get3A_529 : vector<12x8x384xf32> to vector<96x384xf32>
      %convert_element_type3A_531 = arith.truncf %reshape3A_530 : vector<96x384xf32> to vector<96x384xbf16>
      %swap3A_532 = arith.constant 0 : index
      %swap3A_533 = arith.constant 6144 : index
      %swap3A_534 = vector.load %arg7[%swap3A_532, %swap3A_533] : memref<96x6912xbf16, #tpu.memory_space<vmem>>, vector<96x384xbf16>
      tpu.vector_store %arg7[%swap3A_532, %swap3A_533], %convert_element_type3A_531 {strides = array<i32>} : memref<96x6912xbf16, #tpu.memory_space<vmem>>, vector<96x384xbf16>,
      %get3A_535 = arith.constant 0 : index
      %get3A_536 = arith.constant 14 : index
      %get3A_537 = arith.constant 0 : index
      %get3A_538 = arith.constant 0 : index
      %get3A_539 = vector.load %arg4[%get3A_535, %get3A_536, %get3A_537, %get3A_538] : memref<12x18x8x384xf32, #tpu.memory_space<vmem>>, vector<12x1x8x384xf32>
      %get3A_540 = vector.shape_cast %get3A_539 : vector<12x1x8x384xf32> to vector<12x8x384xf32>
      %reshape3A_541 = vector.shape_cast %get3A_540 : vector<12x8x384xf32> to vector<96x384xf32>
      %convert_element_type3A_542 = arith.truncf %reshape3A_541 : vector<96x384xf32> to vector<96x384xbf16>
      %swap3A_543 = arith.constant 0 : index
      %swap3A_544 = arith.constant 5760 : index
      %swap3A_545 = vector.load %arg7[%swap3A_543, %swap3A_544] : memref<96x6912xbf16, #tpu.memory_space<vmem>>, vector<96x384xbf16>
      tpu.vector_store %arg7[%swap3A_543, %swap3A_544], %convert_element_type3A_542 {strides = array<i32>} : memref<96x6912xbf16, #tpu.memory_space<vmem>>, vector<96x384xbf16>,
      %get3A_546 = arith.constant 0 : index
      %get3A_547 = arith.constant 13 : index
      %get3A_548 = arith.constant 0 : index
      %get3A_549 = arith.constant 0 : index
      %get3A_550 = vector.load %arg4[%get3A_546, %get3A_547, %get3A_548, %get3A_549] : memref<12x18x8x384xf32, #tpu.memory_space<vmem>>, vector<12x1x8x384xf32>
      %get3A_551 = vector.shape_cast %get3A_550 : vector<12x1x8x384xf32> to vector<12x8x384xf32>
      %reshape3A_552 = vector.shape_cast %get3A_551 : vector<12x8x384xf32> to vector<96x384xf32>
      %convert_element_type3A_553 = arith.truncf %reshape3A_552 : vector<96x384xf32> to vector<96x384xbf16>
      %swap3A_554 = arith.constant 0 : index
      %swap3A_555 = arith.constant 5376 : index
      %swap3A_556 = vector.load %arg7[%swap3A_554, %swap3A_555] : memref<96x6912xbf16, #tpu.memory_space<vmem>>, vector<96x384xbf16>
      tpu.vector_store %arg7[%swap3A_554, %swap3A_555], %convert_element_type3A_553 {strides = array<i32>} : memref<96x6912xbf16, #tpu.memory_space<vmem>>, vector<96x384xbf16>,
      %get3A_557 = arith.constant 0 : index
      %get3A_558 = arith.constant 12 : index
      %get3A_559 = arith.constant 0 : index
      %get3A_560 = arith.constant 0 : index
      %get3A_561 = vector.load %arg4[%get3A_557, %get3A_558, %get3A_559, %get3A_560] : memref<12x18x8x384xf32, #tpu.memory_space<vmem>>, vector<12x1x8x384xf32>
      %get3A_562 = vector.shape_cast %get3A_561 : vector<12x1x8x384xf32> to vector<12x8x384xf32>
      %reshape3A_563 = vector.shape_cast %get3A_562 : vector<12x8x384xf32> to vector<96x384xf32>
      %convert_element_type3A_564 = arith.truncf %reshape3A_563 : vector<96x384xf32> to vector<96x384xbf16>
      %swap3A_565 = arith.constant 0 : index
      %swap3A_566 = arith.constant 4992 : index
      %swap3A_567 = vector.load %arg7[%swap3A_565, %swap3A_566] : memref<96x6912xbf16, #tpu.memory_space<vmem>>, vector<96x384xbf16>
      tpu.vector_store %arg7[%swap3A_565, %swap3A_566], %convert_element_type3A_564 {strides = array<i32>} : memref<96x6912xbf16, #tpu.memory_space<vmem>>, vector<96x384xbf16>,
      %get3A_568 = arith.constant 0 : index
      %get3A_569 = arith.constant 11 : index
      %get3A_570 = arith.constant 0 : index
      %get3A_571 = arith.constant 0 : index
      %get3A_572 = vector.load %arg4[%get3A_568, %get3A_569, %get3A_570, %get3A_571] : memref<12x18x8x384xf32, #tpu.memory_space<vmem>>, vector<12x1x8x384xf32>
      %get3A_573 = vector.shape_cast %get3A_572 : vector<12x1x8x384xf32> to vector<12x8x384xf32>
      %reshape3A_574 = vector.shape_cast %get3A_573 : vector<12x8x384xf32> to vector<96x384xf32>
      %convert_element_type3A_575 = arith.truncf %reshape3A_574 : vector<96x384xf32> to vector<96x384xbf16>
      %swap3A_576 = arith.constant 0 : index
      %swap3A_577 = arith.constant 4608 : index
      %swap3A_578 = vector.load %arg7[%swap3A_576, %swap3A_577] : memref<96x6912xbf16, #tpu.memory_space<vmem>>, vector<96x384xbf16>
      tpu.vector_store %arg7[%swap3A_576, %swap3A_577], %convert_element_type3A_575 {strides = array<i32>} : memref<96x6912xbf16, #tpu.memory_space<vmem>>, vector<96x384xbf16>,
      %get3A_579 = arith.constant 0 : index
      %get3A_580 = arith.constant 10 : index
      %get3A_581 = arith.constant 0 : index
      %get3A_582 = arith.constant 0 : index
      %get3A_583 = vector.load %arg4[%get3A_579, %get3A_580, %get3A_581, %get3A_582] : memref<12x18x8x384xf32, #tpu.memory_space<vmem>>, vector<12x1x8x384xf32>
      %get3A_584 = vector.shape_cast %get3A_583 : vector<12x1x8x384xf32> to vector<12x8x384xf32>
      %reshape3A_585 = vector.shape_cast %get3A_584 : vector<12x8x384xf32> to vector<96x384xf32>
      %convert_element_type3A_586 = arith.truncf %reshape3A_585 : vector<96x384xf32> to vector<96x384xbf16>
      %swap3A_587 = arith.constant 0 : index
      %swap3A_588 = arith.constant 4224 : index
      %swap3A_589 = vector.load %arg7[%swap3A_587, %swap3A_588] : memref<96x6912xbf16, #tpu.memory_space<vmem>>, vector<96x384xbf16>
      tpu.vector_store %arg7[%swap3A_587, %swap3A_588], %convert_element_type3A_586 {strides = array<i32>} : memref<96x6912xbf16, #tpu.memory_space<vmem>>, vector<96x384xbf16>,
      %get3A_590 = arith.constant 0 : index
      %get3A_591 = arith.constant 9 : index
      %get3A_592 = arith.constant 0 : index
      %get3A_593 = arith.constant 0 : index
      %get3A_594 = vector.load %arg4[%get3A_590, %get3A_591, %get3A_592, %get3A_593] : memref<12x18x8x384xf32, #tpu.memory_space<vmem>>, vector<12x1x8x384xf32>
      %get3A_595 = vector.shape_cast %get3A_594 : vector<12x1x8x384xf32> to vector<12x8x384xf32>
      %reshape3A_596 = vector.shape_cast %get3A_595 : vector<12x8x384xf32> to vector<96x384xf32>
      %convert_element_type3A_597 = arith.truncf %reshape3A_596 : vector<96x384xf32> to vector<96x384xbf16>
      %swap3A_598 = arith.constant 0 : index
      %swap3A_599 = arith.constant 3840 : index
      %swap3A_600 = vector.load %arg7[%swap3A_598, %swap3A_599] : memref<96x6912xbf16, #tpu.memory_space<vmem>>, vector<96x384xbf16>
      tpu.vector_store %arg7[%swap3A_598, %swap3A_599], %convert_element_type3A_597 {strides = array<i32>} : memref<96x6912xbf16, #tpu.memory_space<vmem>>, vector<96x384xbf16>,
      %get3A_601 = arith.constant 0 : index
      %get3A_602 = arith.constant 8 : index
      %get3A_603 = arith.constant 0 : index
      %get3A_604 = arith.constant 0 : index
      %get3A_605 = vector.load %arg4[%get3A_601, %get3A_602, %get3A_603, %get3A_604] : memref<12x18x8x384xf32, #tpu.memory_space<vmem>>, vector<12x1x8x384xf32>
      %get3A_606 = vector.shape_cast %get3A_605 : vector<12x1x8x384xf32> to vector<12x8x384xf32>
      %reshape3A_607 = vector.shape_cast %get3A_606 : vector<12x8x384xf32> to vector<96x384xf32>
      %convert_element_type3A_608 = arith.truncf %reshape3A_607 : vector<96x384xf32> to vector<96x384xbf16>
      %swap3A_609 = arith.constant 0 : index
      %swap3A_610 = arith.constant 3456 : index
      %swap3A_611 = vector.load %arg7[%swap3A_609, %swap3A_610] : memref<96x6912xbf16, #tpu.memory_space<vmem>>, vector<96x384xbf16>
      tpu.vector_store %arg7[%swap3A_609, %swap3A_610], %convert_element_type3A_608 {strides = array<i32>} : memref<96x6912xbf16, #tpu.memory_space<vmem>>, vector<96x384xbf16>,
      %get3A_612 = arith.constant 0 : index
      %get3A_613 = arith.constant 7 : index
      %get3A_614 = arith.constant 0 : index
      %get3A_615 = arith.constant 0 : index
      %get3A_616 = vector.load %arg4[%get3A_612, %get3A_613, %get3A_614, %get3A_615] : memref<12x18x8x384xf32, #tpu.memory_space<vmem>>, vector<12x1x8x384xf32>
      %get3A_617 = vector.shape_cast %get3A_616 : vector<12x1x8x384xf32> to vector<12x8x384xf32>
      %reshape3A_618 = vector.shape_cast %get3A_617 : vector<12x8x384xf32> to vector<96x384xf32>
      %convert_element_type3A_619 = arith.truncf %reshape3A_618 : vector<96x384xf32> to vector<96x384xbf16>
      %swap3A_620 = arith.constant 0 : index
      %swap3A_621 = arith.constant 3072 : index
      %swap3A_622 = vector.load %arg7[%swap3A_620, %swap3A_621] : memref<96x6912xbf16, #tpu.memory_space<vmem>>, vector<96x384xbf16>
      tpu.vector_store %arg7[%swap3A_620, %swap3A_621], %convert_element_type3A_619 {strides = array<i32>} : memref<96x6912xbf16, #tpu.memory_space<vmem>>, vector<96x384xbf16>,
      %get3A_623 = arith.constant 0 : index
      %get3A_624 = arith.constant 6 : index
      %get3A_625 = arith.constant 0 : index
      %get3A_626 = arith.constant 0 : index
      %get3A_627 = vector.load %arg4[%get3A_623, %get3A_624, %get3A_625, %get3A_626] : memref<12x18x8x384xf32, #tpu.memory_space<vmem>>, vector<12x1x8x384xf32>
      %get3A_628 = vector.shape_cast %get3A_627 : vector<12x1x8x384xf32> to vector<12x8x384xf32>
      %reshape3A_629 = vector.shape_cast %get3A_628 : vector<12x8x384xf32> to vector<96x384xf32>
      %convert_element_type3A_630 = arith.truncf %reshape3A_629 : vector<96x384xf32> to vector<96x384xbf16>
      %swap3A_631 = arith.constant 0 : index
      %swap3A_632 = arith.constant 2688 : index
      %swap3A_633 = vector.load %arg7[%swap3A_631, %swap3A_632] : memref<96x6912xbf16, #tpu.memory_space<vmem>>, vector<96x384xbf16>
      tpu.vector_store %arg7[%swap3A_631, %swap3A_632], %convert_element_type3A_630 {strides = array<i32>} : memref<96x6912xbf16, #tpu.memory_space<vmem>>, vector<96x384xbf16>,
      %get3A_634 = arith.constant 0 : index
      %get3A_635 = arith.constant 5 : index
      %get3A_636 = arith.constant 0 : index
      %get3A_637 = arith.constant 0 : index
      %get3A_638 = vector.load %arg4[%get3A_634, %get3A_635, %get3A_636, %get3A_637] : memref<12x18x8x384xf32, #tpu.memory_space<vmem>>, vector<12x1x8x384xf32>
      %get3A_639 = vector.shape_cast %get3A_638 : vector<12x1x8x384xf32> to vector<12x8x384xf32>
      %reshape3A_640 = vector.shape_cast %get3A_639 : vector<12x8x384xf32> to vector<96x384xf32>
      %convert_element_type3A_641 = arith.truncf %reshape3A_640 : vector<96x384xf32> to vector<96x384xbf16>
      %swap3A_642 = arith.constant 0 : index
      %swap3A_643 = arith.constant 2304 : index
      %swap3A_644 = vector.load %arg7[%swap3A_642, %swap3A_643] : memref<96x6912xbf16, #tpu.memory_space<vmem>>, vector<96x384xbf16>
      tpu.vector_store %arg7[%swap3A_642, %swap3A_643], %convert_element_type3A_641 {strides = array<i32>} : memref<96x6912xbf16, #tpu.memory_space<vmem>>, vector<96x384xbf16>,
      %get3A_645 = arith.constant 0 : index
      %get3A_646 = arith.constant 4 : index
      %get3A_647 = arith.constant 0 : index
      %get3A_648 = arith.constant 0 : index
      %get3A_649 = vector.load %arg4[%get3A_645, %get3A_646, %get3A_647, %get3A_648] : memref<12x18x8x384xf32, #tpu.memory_space<vmem>>, vector<12x1x8x384xf32>
      %get3A_650 = vector.shape_cast %get3A_649 : vector<12x1x8x384xf32> to vector<12x8x384xf32>
      %reshape3A_651 = vector.shape_cast %get3A_650 : vector<12x8x384xf32> to vector<96x384xf32>
      %convert_element_type3A_652 = arith.truncf %reshape3A_651 : vector<96x384xf32> to vector<96x384xbf16>
      %swap3A_653 = arith.constant 0 : index
      %swap3A_654 = arith.constant 1920 : index
      %swap3A_655 = vector.load %arg7[%swap3A_653, %swap3A_654] : memref<96x6912xbf16, #tpu.memory_space<vmem>>, vector<96x384xbf16>
      tpu.vector_store %arg7[%swap3A_653, %swap3A_654], %convert_element_type3A_652 {strides = array<i32>} : memref<96x6912xbf16, #tpu.memory_space<vmem>>, vector<96x384xbf16>,
      %get3A_656 = arith.constant 0 : index
      %get3A_657 = arith.constant 3 : index
      %get3A_658 = arith.constant 0 : index
      %get3A_659 = arith.constant 0 : index
      %get3A_660 = vector.load %arg4[%get3A_656, %get3A_657, %get3A_658, %get3A_659] : memref<12x18x8x384xf32, #tpu.memory_space<vmem>>, vector<12x1x8x384xf32>
      %get3A_661 = vector.shape_cast %get3A_660 : vector<12x1x8x384xf32> to vector<12x8x384xf32>
      %reshape3A_662 = vector.shape_cast %get3A_661 : vector<12x8x384xf32> to vector<96x384xf32>
      %convert_element_type3A_663 = arith.truncf %reshape3A_662 : vector<96x384xf32> to vector<96x384xbf16>
      %swap3A_664 = arith.constant 0 : index
      %swap3A_665 = arith.constant 1536 : index
      %swap3A_666 = vector.load %arg7[%swap3A_664, %swap3A_665] : memref<96x6912xbf16, #tpu.memory_space<vmem>>, vector<96x384xbf16>
      tpu.vector_store %arg7[%swap3A_664, %swap3A_665], %convert_element_type3A_663 {strides = array<i32>} : memref<96x6912xbf16, #tpu.memory_space<vmem>>, vector<96x384xbf16>,
      %get3A_667 = arith.constant 0 : index
      %get3A_668 = arith.constant 2 : index
      %get3A_669 = arith.constant 0 : index
      %get3A_670 = arith.constant 0 : index
      %get3A_671 = vector.load %arg4[%get3A_667, %get3A_668, %get3A_669, %get3A_670] : memref<12x18x8x384xf32, #tpu.memory_space<vmem>>, vector<12x1x8x384xf32>
      %get3A_672 = vector.shape_cast %get3A_671 : vector<12x1x8x384xf32> to vector<12x8x384xf32>
      %reshape3A_673 = vector.shape_cast %get3A_672 : vector<12x8x384xf32> to vector<96x384xf32>
      %convert_element_type3A_674 = arith.truncf %reshape3A_673 : vector<96x384xf32> to vector<96x384xbf16>
      %swap3A_675 = arith.constant 0 : index
      %swap3A_676 = arith.constant 1152 : index
      %swap3A_677 = vector.load %arg7[%swap3A_675, %swap3A_676] : memref<96x6912xbf16, #tpu.memory_space<vmem>>, vector<96x384xbf16>
      tpu.vector_store %arg7[%swap3A_675, %swap3A_676], %convert_element_type3A_674 {strides = array<i32>} : memref<96x6912xbf16, #tpu.memory_space<vmem>>, vector<96x384xbf16>,
      %get3A_678 = arith.constant 0 : index
      %get3A_679 = arith.constant 1 : index
      %get3A_680 = arith.constant 0 : index
      %get3A_681 = arith.constant 0 : index
      %get3A_682 = vector.load %arg4[%get3A_678, %get3A_679, %get3A_680, %get3A_681] : memref<12x18x8x384xf32, #tpu.memory_space<vmem>>, vector<12x1x8x384xf32>
      %get3A_683 = vector.shape_cast %get3A_682 : vector<12x1x8x384xf32> to vector<12x8x384xf32>
      %reshape3A_684 = vector.shape_cast %get3A_683 : vector<12x8x384xf32> to vector<96x384xf32>
      %convert_element_type3A_685 = arith.truncf %reshape3A_684 : vector<96x384xf32> to vector<96x384xbf16>
      %swap3A_686 = arith.constant 0 : index
      %swap3A_687 = arith.constant 768 : index
      %swap3A_688 = vector.load %arg7[%swap3A_686, %swap3A_687] : memref<96x6912xbf16, #tpu.memory_space<vmem>>, vector<96x384xbf16>
      tpu.vector_store %arg7[%swap3A_686, %swap3A_687], %convert_element_type3A_685 {strides = array<i32>} : memref<96x6912xbf16, #tpu.memory_space<vmem>>, vector<96x384xbf16>,
      %get3A_689 = arith.constant 0 : index
      %get3A_690 = arith.constant 0 : index
      %get3A_691 = arith.constant 0 : index
      %get3A_692 = arith.constant 0 : index
      %get3A_693 = vector.load %arg4[%get3A_689, %get3A_690, %get3A_691, %get3A_692] : memref<12x18x8x384xf32, #tpu.memory_space<vmem>>, vector<12x1x8x384xf32>
      %get3A_694 = vector.shape_cast %get3A_693 : vector<12x1x8x384xf32> to vector<12x8x384xf32>
      %reshape3A_695 = vector.shape_cast %get3A_694 : vector<12x8x384xf32> to vector<96x384xf32>
      %convert_element_type3A_696 = arith.truncf %reshape3A_695 : vector<96x384xf32> to vector<96x384xbf16>
      %swap3A_697 = arith.constant 0 : index
      %swap3A_698 = arith.constant 384 : index
      %swap3A_699 = vector.load %arg7[%swap3A_697, %swap3A_698] : memref<96x6912xbf16, #tpu.memory_space<vmem>>, vector<96x384xbf16>
      tpu.vector_store %arg7[%swap3A_697, %swap3A_698], %convert_element_type3A_696 {strides = array<i32>} : memref<96x6912xbf16, #tpu.memory_space<vmem>>, vector<96x384xbf16>,
      %broadcast_in_dim3A_700 = arith.constant 0.000000e+00 : bf16
      %broadcast_in_dim3A_701 = vector.broadcast %broadcast_in_dim3A_700 : bf16 to vector<96x384xbf16>
      %swap3A_702 = arith.constant 0 : index
      %swap3A_703 = arith.constant 0 : index
      %swap3A_704 = vector.load %arg7[%swap3A_702, %swap3A_703] : memref<96x6912xbf16, #tpu.memory_space<vmem>>, vector<96x384xbf16>
      tpu.vector_store %arg7[%swap3A_702, %swap3A_703], %broadcast_in_dim3A_701 {strides = array<i32>} : memref<96x6912xbf16, #tpu.memory_space<vmem>>, vector<96x384xbf16>,
    } else {
    }
    %eq3A_197 = arith.constant 23 : i32
    %eq3A_198 = arith.cmpi eq, %arg1, %eq3A_197 : i32
    %convert_element_type3A_199 = arith.extui %eq3A_198 : i1 to i32
    %cond3A_200 = arith.constant 0 : i32
    %cond3A_201 = arith.cmpi ne, %convert_element_type3A_199, %cond3A_200 : i32
    scf.if %cond3A_201 {
      %broadcast_in_dim3A_513 = arith.constant 0.000000e+00 : bf16
      %broadcast_in_dim3A_514 = vector.broadcast %broadcast_in_dim3A_513 : bf16 to vector<96x384xbf16>
      %swap3A_515 = arith.constant 0 : index
      %swap3A_516 = arith.constant 6528 : index
      %swap3A_517 = vector.load %arg7[%swap3A_515, %swap3A_516] : memref<96x6912xbf16, #tpu.memory_space<vmem>>, vector<96x384xbf16>
      tpu.vector_store %arg7[%swap3A_515, %swap3A_516], %broadcast_in_dim3A_514 {strides = array<i32>} : memref<96x6912xbf16, #tpu.memory_space<vmem>>, vector<96x384xbf16>,
    } else {
    }
    %iota3A = tpu.iota {dimensions = array<i32: 1>} : vector<1x6144xi32>
    %jit3A = arith.constant 384 : i32
    %eq3A_202 = arith.constant 0 : i32
    %eq3A_203 = arith.cmpi eq, %jit3A, %eq3A_202 : i32
    %jit3A_204 = arith.constant 1 : i32
    %select_n3A = arith.select %eq3A_203, %jit3A_204, %jit3A : i32
    %rem3A = vector.broadcast %select_n3A : i32 to vector<1x6144xi32>
    %rem3A_205 = arith.remsi %iota3A, %rem3A : vector<1x6144xi32>
    %ne3A = arith.constant 0 : i32
    %ne3A_206 = vector.broadcast %ne3A : i32 to vector<1x6144xi32>
    %ne3A_207 = arith.cmpi ne, %rem3A_205, %ne3A_206 : vector<1x6144xi32>
    %lt3A = arith.constant 0 : i32
    %lt3A_208 = vector.broadcast %lt3A : i32 to vector<1x6144xi32>
    %lt3A_209 = arith.cmpi slt, %rem3A_205, %lt3A_208 : vector<1x6144xi32>
    %lt3A_210 = arith.constant 0 : i32
    %lt3A_211 = arith.cmpi slt, %select_n3A, %lt3A_210 : i32
    %ne3A_212 = vector.broadcast %lt3A_211 : i1 to vector<1x6144xi1>
    %ne3A_213 = vector.broadcast %ne3A_212 : vector<1x6144xi1> to vector<1x6144xi1>
    %ne3A_214 = arith.xori %lt3A_209, %ne3A_213 : vector<1x6144xi1>
    %and3A = arith.andi %ne3A_214, %ne3A_207 : vector<1x6144xi1>
    %add3A = vector.broadcast %select_n3A : i32 to vector<1x6144xi32>
    %add3A_215 = arith.addi %rem3A_205, %add3A : vector<1x6144xi32>
    %select_n3A_216 = arith.select %and3A, %add3A_215, %rem3A_205 : vector<1x6144xi1>, vector<1x6144xi32>
    %broadcast_in_dim3A = arith.constant 0.000000e+00 : f32
    %broadcast_in_dim3A_217 = vector.broadcast %broadcast_in_dim3A : f32 to vector<96x6144xf32>
    %get3A_218 = arith.constant 0 : index
    %get3A_219 = arith.constant 0 : index
    %get3A_220 = vector.load %arg7[%get3A_218, %get3A_219] : memref<96x6912xbf16, #tpu.memory_space<vmem>>, vector<96x6144xbf16>
    %eq3A_221 = arith.constant 0 : i32
    %eq3A_222 = vector.broadcast %eq3A_221 : i32 to vector<1x6144xi32>
    %eq3A_223 = arith.cmpi eq, %select_n3A_216, %eq3A_222 : vector<1x6144xi32>
    %roll3A = arith.constant 1 : i32
    %roll3A_224 = tpu.dynamic_rotate %get3A_220 by %roll3A dim 1 : vector<96x6144xbf16>, i32 -> vector<96x6144xbf16>
    %jit3A_225 = arith.constant 0.000000e+00 : bf16
    %broadcast_in_dim3A_226 = vector.shape_cast %eq3A_223 : vector<1x6144xi1> to vector<1x6144xi1>
    %broadcast_in_dim3A_227 = vector.broadcast %broadcast_in_dim3A_226 : vector<1x6144xi1> to vector<96x6144xi1>
    %broadcast_in_dim3A_228 = vector.broadcast %jit3A_225 : bf16 to vector<96x6144xbf16>
    %select_n3A_229 = arith.select %broadcast_in_dim3A_227, %broadcast_in_dim3A_228, %roll3A_224 : vector<96x6144xi1>, vector<96x6144xbf16>
    %get3A_230 = arith.constant 0 : index
    %get3A_231 = arith.constant 0 : index
    %get3A_232 = arith.constant 0 : index
    %get3A_233 = vector.load %arg2[%get3A_230, %get3A_231, %get3A_232] : memref<9x96x96xbf16, #tpu.memory_space<vmem>>, vector<1x96x96xbf16>
    %get3A_234 = vector.shape_cast %get3A_233 : vector<1x96x96xbf16> to vector<96x96xbf16>
    %dot_general3A = arith.constant dense<0.000000e+00> : vector<96x6144xf32>
    %dot_general3A_235 = tpu.matmul %get3A_234, %select_n3A_229, %dot_general3A {dimension_numbers = #tpu.dot_dimension_numbers<[1], [0], [0], [1], [0, 0, 1, 1], [], []>, transpose_lhs_hint = false} : vector<96x96xbf16>, vector<96x6144xbf16>, vector<96x6144xf32> -> vector<96x6144xf32>
    %add3A_236 = arith.addf %broadcast_in_dim3A_217, %dot_general3A_235 : vector<96x6144xf32>
    %get3A_237 = arith.constant 1 : index
    %get3A_238 = arith.constant 0 : index
    %get3A_239 = arith.constant 0 : index
    %get3A_240 = vector.load %arg2[%get3A_237, %get3A_238, %get3A_239] : memref<9x96x96xbf16, #tpu.memory_space<vmem>>, vector<1x96x96xbf16>
    %get3A_241 = vector.shape_cast %get3A_240 : vector<1x96x96xbf16> to vector<96x96xbf16>
    %dot_general3A_242 = arith.constant dense<0.000000e+00> : vector<96x6144xf32>
    %dot_general3A_243 = tpu.matmul %get3A_241, %get3A_220, %dot_general3A_242 {dimension_numbers = #tpu.dot_dimension_numbers<[1], [0], [0], [1], [0, 0, 1, 1], [], []>, transpose_lhs_hint = false} : vector<96x96xbf16>, vector<96x6144xbf16>, vector<96x6144xf32> -> vector<96x6144xf32>
    %add3A_244 = arith.addf %add3A_236, %dot_general3A_243 : vector<96x6144xf32>
    %eq3A_245 = arith.constant 383 : i32
    %eq3A_246 = vector.broadcast %eq3A_245 : i32 to vector<1x6144xi32>
    %eq3A_247 = arith.cmpi eq, %select_n3A_216, %eq3A_246 : vector<1x6144xi32>
    %roll3A_248 = arith.constant 6143 : i32
    %roll3A_249 = tpu.dynamic_rotate %get3A_220 by %roll3A_248 dim 1 : vector<96x6144xbf16>, i32 -> vector<96x6144xbf16>
    %jit3A_250 = arith.constant 0.000000e+00 : bf16
    %broadcast_in_dim3A_251 = vector.shape_cast %eq3A_247 : vector<1x6144xi1> to vector<1x6144xi1>
    %broadcast_in_dim3A_252 = vector.broadcast %broadcast_in_dim3A_251 : vector<1x6144xi1> to vector<96x6144xi1>
    %broadcast_in_dim3A_253 = vector.broadcast %jit3A_250 : bf16 to vector<96x6144xbf16>
    %select_n3A_254 = arith.select %broadcast_in_dim3A_252, %broadcast_in_dim3A_253, %roll3A_249 : vector<96x6144xi1>, vector<96x6144xbf16>
    %get3A_255 = arith.constant 2 : index
    %get3A_256 = arith.constant 0 : index
    %get3A_257 = arith.constant 0 : index
    %get3A_258 = vector.load %arg2[%get3A_255, %get3A_256, %get3A_257] : memref<9x96x96xbf16, #tpu.memory_space<vmem>>, vector<1x96x96xbf16>
    %get3A_259 = vector.shape_cast %get3A_258 : vector<1x96x96xbf16> to vector<96x96xbf16>
    %dot_general3A_260 = arith.constant dense<0.000000e+00> : vector<96x6144xf32>
    %dot_general3A_261 = tpu.matmul %get3A_259, %select_n3A_254, %dot_general3A_260 {dimension_numbers = #tpu.dot_dimension_numbers<[1], [0], [0], [1], [0, 0, 1, 1], [], []>, transpose_lhs_hint = false} : vector<96x96xbf16>, vector<96x6144xbf16>, vector<96x6144xf32> -> vector<96x6144xf32>
    %add3A_262 = arith.addf %add3A_244, %dot_general3A_261 : vector<96x6144xf32>
    %get3A_263 = arith.constant 0 : index
    %get3A_264 = arith.constant 384 : index
    %get3A_265 = vector.load %arg7[%get3A_263, %get3A_264] : memref<96x6912xbf16, #tpu.memory_space<vmem>>, vector<96x6144xbf16>
    %eq3A_266 = arith.constant 0 : i32
    %eq3A_267 = vector.broadcast %eq3A_266 : i32 to vector<1x6144xi32>
    %eq3A_268 = arith.cmpi eq, %select_n3A_216, %eq3A_267 : vector<1x6144xi32>
    %roll3A_269 = arith.constant 1 : i32
    %roll3A_270 = tpu.dynamic_rotate %get3A_265 by %roll3A_269 dim 1 : vector<96x6144xbf16>, i32 -> vector<96x6144xbf16>
    %jit3A_271 = arith.constant 0.000000e+00 : bf16
    %broadcast_in_dim3A_272 = vector.shape_cast %eq3A_268 : vector<1x6144xi1> to vector<1x6144xi1>
    %broadcast_in_dim3A_273 = vector.broadcast %broadcast_in_dim3A_272 : vector<1x6144xi1> to vector<96x6144xi1>
    %broadcast_in_dim3A_274 = vector.broadcast %jit3A_271 : bf16 to vector<96x6144xbf16>
    %select_n3A_275 = arith.select %broadcast_in_dim3A_273, %broadcast_in_dim3A_274, %roll3A_270 : vector<96x6144xi1>, vector<96x6144xbf16>
    %get3A_276 = arith.constant 3 : index
    %get3A_277 = arith.constant 0 : index
    %get3A_278 = arith.constant 0 : index
    %get3A_279 = vector.load %arg2[%get3A_276, %get3A_277, %get3A_278] : memref<9x96x96xbf16, #tpu.memory_space<vmem>>, vector<1x96x96xbf16>
    %get3A_280 = vector.shape_cast %get3A_279 : vector<1x96x96xbf16> to vector<96x96xbf16>
    %dot_general3A_281 = arith.constant dense<0.000000e+00> : vector<96x6144xf32>
    %dot_general3A_282 = tpu.matmul %get3A_280, %select_n3A_275, %dot_general3A_281 {dimension_numbers = #tpu.dot_dimension_numbers<[1], [0], [0], [1], [0, 0, 1, 1], [], []>, transpose_lhs_hint = false} : vector<96x96xbf16>, vector<96x6144xbf16>, vector<96x6144xf32> -> vector<96x6144xf32>
    %add3A_283 = arith.addf %add3A_262, %dot_general3A_282 : vector<96x6144xf32>
    %get3A_284 = arith.constant 4 : index
    %get3A_285 = arith.constant 0 : index
    %get3A_286 = arith.constant 0 : index
    %get3A_287 = vector.load %arg2[%get3A_284, %get3A_285, %get3A_286] : memref<9x96x96xbf16, #tpu.memory_space<vmem>>, vector<1x96x96xbf16>
    %get3A_288 = vector.shape_cast %get3A_287 : vector<1x96x96xbf16> to vector<96x96xbf16>
    %dot_general3A_289 = arith.constant dense<0.000000e+00> : vector<96x6144xf32>
    %dot_general3A_290 = tpu.matmul %get3A_288, %get3A_265, %dot_general3A_289 {dimension_numbers = #tpu.dot_dimension_numbers<[1], [0], [0], [1], [0, 0, 1, 1], [], []>, transpose_lhs_hint = false} : vector<96x96xbf16>, vector<96x6144xbf16>, vector<96x6144xf32> -> vector<96x6144xf32>
    %add3A_291 = arith.addf %add3A_283, %dot_general3A_290 : vector<96x6144xf32>
    %eq3A_292 = arith.constant 383 : i32
    %eq3A_293 = vector.broadcast %eq3A_292 : i32 to vector<1x6144xi32>
    %eq3A_294 = arith.cmpi eq, %select_n3A_216, %eq3A_293 : vector<1x6144xi32>
    %roll3A_295 = arith.constant 6143 : i32
    %roll3A_296 = tpu.dynamic_rotate %get3A_265 by %roll3A_295 dim 1 : vector<96x6144xbf16>, i32 -> vector<96x6144xbf16>
    %jit3A_297 = arith.constant 0.000000e+00 : bf16
    %broadcast_in_dim3A_298 = vector.shape_cast %eq3A_294 : vector<1x6144xi1> to vector<1x6144xi1>
    %broadcast_in_dim3A_299 = vector.broadcast %broadcast_in_dim3A_298 : vector<1x6144xi1> to vector<96x6144xi1>
    %broadcast_in_dim3A_300 = vector.broadcast %jit3A_297 : bf16 to vector<96x6144xbf16>
    %select_n3A_301 = arith.select %broadcast_in_dim3A_299, %broadcast_in_dim3A_300, %roll3A_296 : vector<96x6144xi1>, vector<96x6144xbf16>
    %get3A_302 = arith.constant 5 : index
    %get3A_303 = arith.constant 0 : index
    %get3A_304 = arith.constant 0 : index
    %get3A_305 = vector.load %arg2[%get3A_302, %get3A_303, %get3A_304] : memref<9x96x96xbf16, #tpu.memory_space<vmem>>, vector<1x96x96xbf16>
    %get3A_306 = vector.shape_cast %get3A_305 : vector<1x96x96xbf16> to vector<96x96xbf16>
    %dot_general3A_307 = arith.constant dense<0.000000e+00> : vector<96x6144xf32>
    %dot_general3A_308 = tpu.matmul %get3A_306, %select_n3A_301, %dot_general3A_307 {dimension_numbers = #tpu.dot_dimension_numbers<[1], [0], [0], [1], [0, 0, 1, 1], [], []>, transpose_lhs_hint = false} : vector<96x96xbf16>, vector<96x6144xbf16>, vector<96x6144xf32> -> vector<96x6144xf32>
    %add3A_309 = arith.addf %add3A_291, %dot_general3A_308 : vector<96x6144xf32>
    %get3A_310 = arith.constant 0 : index
    %get3A_311 = arith.constant 768 : index
    %get3A_312 = vector.load %arg7[%get3A_310, %get3A_311] : memref<96x6912xbf16, #tpu.memory_space<vmem>>, vector<96x6144xbf16>
    %eq3A_313 = arith.constant 0 : i32
    %eq3A_314 = vector.broadcast %eq3A_313 : i32 to vector<1x6144xi32>
    %eq3A_315 = arith.cmpi eq, %select_n3A_216, %eq3A_314 : vector<1x6144xi32>
    %roll3A_316 = arith.constant 1 : i32
    %roll3A_317 = tpu.dynamic_rotate %get3A_312 by %roll3A_316 dim 1 : vector<96x6144xbf16>, i32 -> vector<96x6144xbf16>
    %jit3A_318 = arith.constant 0.000000e+00 : bf16
    %broadcast_in_dim3A_319 = vector.shape_cast %eq3A_315 : vector<1x6144xi1> to vector<1x6144xi1>
    %broadcast_in_dim3A_320 = vector.broadcast %broadcast_in_dim3A_319 : vector<1x6144xi1> to vector<96x6144xi1>
    %broadcast_in_dim3A_321 = vector.broadcast %jit3A_318 : bf16 to vector<96x6144xbf16>
    %select_n3A_322 = arith.select %broadcast_in_dim3A_320, %broadcast_in_dim3A_321, %roll3A_317 : vector<96x6144xi1>, vector<96x6144xbf16>
    %get3A_323 = arith.constant 6 : index
    %get3A_324 = arith.constant 0 : index
    %get3A_325 = arith.constant 0 : index
    %get3A_326 = vector.load %arg2[%get3A_323, %get3A_324, %get3A_325] : memref<9x96x96xbf16, #tpu.memory_space<vmem>>, vector<1x96x96xbf16>
    %get3A_327 = vector.shape_cast %get3A_326 : vector<1x96x96xbf16> to vector<96x96xbf16>
    %dot_general3A_328 = arith.constant dense<0.000000e+00> : vector<96x6144xf32>
    %dot_general3A_329 = tpu.matmul %get3A_327, %select_n3A_322, %dot_general3A_328 {dimension_numbers = #tpu.dot_dimension_numbers<[1], [0], [0], [1], [0, 0, 1, 1], [], []>, transpose_lhs_hint = false} : vector<96x96xbf16>, vector<96x6144xbf16>, vector<96x6144xf32> -> vector<96x6144xf32>
    %add3A_330 = arith.addf %add3A_309, %dot_general3A_329 : vector<96x6144xf32>
    %get3A_331 = arith.constant 7 : index
    %get3A_332 = arith.constant 0 : index
    %get3A_333 = arith.constant 0 : index
    %get3A_334 = vector.load %arg2[%get3A_331, %get3A_332, %get3A_333] : memref<9x96x96xbf16, #tpu.memory_space<vmem>>, vector<1x96x96xbf16>
    %get3A_335 = vector.shape_cast %get3A_334 : vector<1x96x96xbf16> to vector<96x96xbf16>
    %dot_general3A_336 = arith.constant dense<0.000000e+00> : vector<96x6144xf32>
    %dot_general3A_337 = tpu.matmul %get3A_335, %get3A_312, %dot_general3A_336 {dimension_numbers = #tpu.dot_dimension_numbers<[1], [0], [0], [1], [0, 0, 1, 1], [], []>, transpose_lhs_hint = false} : vector<96x96xbf16>, vector<96x6144xbf16>, vector<96x6144xf32> -> vector<96x6144xf32>
    %add3A_338 = arith.addf %add3A_330, %dot_general3A_337 : vector<96x6144xf32>
    %eq3A_339 = arith.constant 383 : i32
    %eq3A_340 = vector.broadcast %eq3A_339 : i32 to vector<1x6144xi32>
    %eq3A_341 = arith.cmpi eq, %select_n3A_216, %eq3A_340 : vector<1x6144xi32>
    %roll3A_342 = arith.constant 6143 : i32
    %roll3A_343 = tpu.dynamic_rotate %get3A_312 by %roll3A_342 dim 1 : vector<96x6144xbf16>, i32 -> vector<96x6144xbf16>
    %jit3A_344 = arith.constant 0.000000e+00 : bf16
    %broadcast_in_dim3A_345 = vector.shape_cast %eq3A_341 : vector<1x6144xi1> to vector<1x6144xi1>
    %broadcast_in_dim3A_346 = vector.broadcast %broadcast_in_dim3A_345 : vector<1x6144xi1> to vector<96x6144xi1>
    %broadcast_in_dim3A_347 = vector.broadcast %jit3A_344 : bf16 to vector<96x6144xbf16>
    %select_n3A_348 = arith.select %broadcast_in_dim3A_346, %broadcast_in_dim3A_347, %roll3A_343 : vector<96x6144xi1>, vector<96x6144xbf16>
    %get3A_349 = arith.constant 8 : index
    %get3A_350 = arith.constant 0 : index
    %get3A_351 = arith.constant 0 : index
    %get3A_352 = vector.load %arg2[%get3A_349, %get3A_350, %get3A_351] : memref<9x96x96xbf16, #tpu.memory_space<vmem>>, vector<1x96x96xbf16>
    %get3A_353 = vector.shape_cast %get3A_352 : vector<1x96x96xbf16> to vector<96x96xbf16>
    %dot_general3A_354 = arith.constant dense<0.000000e+00> : vector<96x6144xf32>
    %dot_general3A_355 = tpu.matmul %get3A_353, %select_n3A_348, %dot_general3A_354 {dimension_numbers = #tpu.dot_dimension_numbers<[1], [0], [0], [1], [0, 0, 1, 1], [], []>, transpose_lhs_hint = false} : vector<96x96xbf16>, vector<96x6144xbf16>, vector<96x6144xf32> -> vector<96x6144xf32>
    %add3A_356 = arith.addf %add3A_338, %dot_general3A_355 : vector<96x6144xf32>
    %get3A_357 = arith.constant 0 : index
    %get3A_358 = arith.constant 0 : index
    %get3A_359 = arith.constant 0 : index
    %get3A_360 = vector.load %arg5[%get3A_357, %get3A_358, %get3A_359] : memref<1x16x384xi32, #tpu.memory_space<vmem>>, vector<1x16x384xi32>
    %get3A_361 = vector.shape_cast %get3A_360 : vector<1x16x384xi32> to vector<16x384xi32>
    %reshape3A_362 = vector.shape_cast %get3A_361 : vector<16x384xi32> to vector<1x6144xi32>
    %convert_element_type3A_363 = arith.sitofp %reshape3A_362 : vector<1x6144xi32> to vector<1x6144xf32>
    %get3A_364 = arith.constant 0 : index
    %get3A_365 = arith.constant 0 : index
    %get3A_366 = vector.load %arg3[%get3A_364, %get3A_365] : memref<96x1xf32, #tpu.memory_space<vmem>>, vector<96x1xf32>
    %add3A_367 = vector.broadcast %get3A_366 : vector<96x1xf32> to vector<96x6144xf32>
    %add3A_368 = arith.addf %add3A_356, %add3A_367 : vector<96x6144xf32>
    %mul3A = vector.broadcast %convert_element_type3A_363 : vector<1x6144xf32> to vector<96x6144xf32>
    %mul3A_369 = arith.mulf %add3A_368, %mul3A : vector<96x6144xf32>
    %slice3A = vector.extract_strided_slice %mul3A_369 {offsets = [0, 0], sizes = [96, 384], strides = [1, 1]} : vector<96x6144xf32> to vector<96x384xf32>
    %reshape3A_370 = vector.shape_cast %slice3A : vector<96x384xf32> to vector<12x8x384xf32>
    %swap3A_371 = arith.constant 0 : index
    %swap3A_372 = arith.constant 0 : index
    %swap3A_373 = arith.constant 0 : index
    %swap3A_374 = arith.constant 0 : index
    %swap3A_375 = vector.load %arg6[%swap3A_371, %swap3A_372, %swap3A_373, %swap3A_374] : memref<12x16x8x384xf32, #tpu.memory_space<vmem>>, vector<12x1x8x384xf32>
    %swap3A_376 = vector.shape_cast %swap3A_375 : vector<12x1x8x384xf32> to vector<12x8x384xf32>
    %swap3A_377 = vector.shape_cast %reshape3A_370 : vector<12x8x384xf32> to vector<12x1x8x384xf32>
    tpu.vector_store %arg6[%swap3A_371, %swap3A_372, %swap3A_373, %swap3A_374], %swap3A_377 {strides = array<i32>} : memref<12x16x8x384xf32, #tpu.memory_space<vmem>>, vector<12x1x8x384xf32>,
    %slice3A_378 = vector.extract_strided_slice %mul3A_369 {offsets = [0, 384], sizes = [96, 384], strides = [1, 1]} : vector<96x6144xf32> to vector<96x384xf32>
    %reshape3A_379 = vector.shape_cast %slice3A_378 : vector<96x384xf32> to vector<12x8x384xf32>
    %swap3A_380 = arith.constant 0 : index
    %swap3A_381 = arith.constant 1 : index
    %swap3A_382 = arith.constant 0 : index
    %swap3A_383 = arith.constant 0 : index
    %swap3A_384 = vector.load %arg6[%swap3A_380, %swap3A_381, %swap3A_382, %swap3A_383] : memref<12x16x8x384xf32, #tpu.memory_space<vmem>>, vector<12x1x8x384xf32>
    %swap3A_385 = vector.shape_cast %swap3A_384 : vector<12x1x8x384xf32> to vector<12x8x384xf32>
    %swap3A_386 = vector.shape_cast %reshape3A_379 : vector<12x8x384xf32> to vector<12x1x8x384xf32>
    tpu.vector_store %arg6[%swap3A_380, %swap3A_381, %swap3A_382, %swap3A_383], %swap3A_386 {strides = array<i32>} : memref<12x16x8x384xf32, #tpu.memory_space<vmem>>, vector<12x1x8x384xf32>,
    %slice3A_387 = vector.extract_strided_slice %mul3A_369 {offsets = [0, 768], sizes = [96, 384], strides = [1, 1]} : vector<96x6144xf32> to vector<96x384xf32>
    %reshape3A_388 = vector.shape_cast %slice3A_387 : vector<96x384xf32> to vector<12x8x384xf32>
    %swap3A_389 = arith.constant 0 : index
    %swap3A_390 = arith.constant 2 : index
    %swap3A_391 = arith.constant 0 : index
    %swap3A_392 = arith.constant 0 : index
    %swap3A_393 = vector.load %arg6[%swap3A_389, %swap3A_390, %swap3A_391, %swap3A_392] : memref<12x16x8x384xf32, #tpu.memory_space<vmem>>, vector<12x1x8x384xf32>
    %swap3A_394 = vector.shape_cast %swap3A_393 : vector<12x1x8x384xf32> to vector<12x8x384xf32>
    %swap3A_395 = vector.shape_cast %reshape3A_388 : vector<12x8x384xf32> to vector<12x1x8x384xf32>
    tpu.vector_store %arg6[%swap3A_389, %swap3A_390, %swap3A_391, %swap3A_392], %swap3A_395 {strides = array<i32>} : memref<12x16x8x384xf32, #tpu.memory_space<vmem>>, vector<12x1x8x384xf32>,
    %slice3A_396 = vector.extract_strided_slice %mul3A_369 {offsets = [0, 1152], sizes = [96, 384], strides = [1, 1]} : vector<96x6144xf32> to vector<96x384xf32>
    %reshape3A_397 = vector.shape_cast %slice3A_396 : vector<96x384xf32> to vector<12x8x384xf32>
    %swap3A_398 = arith.constant 0 : index
    %swap3A_399 = arith.constant 3 : index
    %swap3A_400 = arith.constant 0 : index
    %swap3A_401 = arith.constant 0 : index
    %swap3A_402 = vector.load %arg6[%swap3A_398, %swap3A_399, %swap3A_400, %swap3A_401] : memref<12x16x8x384xf32, #tpu.memory_space<vmem>>, vector<12x1x8x384xf32>
    %swap3A_403 = vector.shape_cast %swap3A_402 : vector<12x1x8x384xf32> to vector<12x8x384xf32>
    %swap3A_404 = vector.shape_cast %reshape3A_397 : vector<12x8x384xf32> to vector<12x1x8x384xf32>
    tpu.vector_store %arg6[%swap3A_398, %swap3A_399, %swap3A_400, %swap3A_401], %swap3A_404 {strides = array<i32>} : memref<12x16x8x384xf32, #tpu.memory_space<vmem>>, vector<12x1x8x384xf32>,
    %slice3A_405 = vector.extract_strided_slice %mul3A_369 {offsets = [0, 1536], sizes = [96, 384], strides = [1, 1]} : vector<96x6144xf32> to vector<96x384xf32>
    %reshape3A_406 = vector.shape_cast %slice3A_405 : vector<96x384xf32> to vector<12x8x384xf32>
    %swap3A_407 = arith.constant 0 : index
    %swap3A_408 = arith.constant 4 : index
    %swap3A_409 = arith.constant 0 : index
    %swap3A_410 = arith.constant 0 : index
    %swap3A_411 = vector.load %arg6[%swap3A_407, %swap3A_408, %swap3A_409, %swap3A_410] : memref<12x16x8x384xf32, #tpu.memory_space<vmem>>, vector<12x1x8x384xf32>
    %swap3A_412 = vector.shape_cast %swap3A_411 : vector<12x1x8x384xf32> to vector<12x8x384xf32>
    %swap3A_413 = vector.shape_cast %reshape3A_406 : vector<12x8x384xf32> to vector<12x1x8x384xf32>
    tpu.vector_store %arg6[%swap3A_407, %swap3A_408, %swap3A_409, %swap3A_410], %swap3A_413 {strides = array<i32>} : memref<12x16x8x384xf32, #tpu.memory_space<vmem>>, vector<12x1x8x384xf32>,
    %slice3A_414 = vector.extract_strided_slice %mul3A_369 {offsets = [0, 1920], sizes = [96, 384], strides = [1, 1]} : vector<96x6144xf32> to vector<96x384xf32>
    %reshape3A_415 = vector.shape_cast %slice3A_414 : vector<96x384xf32> to vector<12x8x384xf32>
    %swap3A_416 = arith.constant 0 : index
    %swap3A_417 = arith.constant 5 : index
    %swap3A_418 = arith.constant 0 : index
    %swap3A_419 = arith.constant 0 : index
    %swap3A_420 = vector.load %arg6[%swap3A_416, %swap3A_417, %swap3A_418, %swap3A_419] : memref<12x16x8x384xf32, #tpu.memory_space<vmem>>, vector<12x1x8x384xf32>
    %swap3A_421 = vector.shape_cast %swap3A_420 : vector<12x1x8x384xf32> to vector<12x8x384xf32>
    %swap3A_422 = vector.shape_cast %reshape3A_415 : vector<12x8x384xf32> to vector<12x1x8x384xf32>
    tpu.vector_store %arg6[%swap3A_416, %swap3A_417, %swap3A_418, %swap3A_419], %swap3A_422 {strides = array<i32>} : memref<12x16x8x384xf32, #tpu.memory_space<vmem>>, vector<12x1x8x384xf32>,
    %slice3A_423 = vector.extract_strided_slice %mul3A_369 {offsets = [0, 2304], sizes = [96, 384], strides = [1, 1]} : vector<96x6144xf32> to vector<96x384xf32>
    %reshape3A_424 = vector.shape_cast %slice3A_423 : vector<96x384xf32> to vector<12x8x384xf32>
    %swap3A_425 = arith.constant 0 : index
    %swap3A_426 = arith.constant 6 : index
    %swap3A_427 = arith.constant 0 : index
    %swap3A_428 = arith.constant 0 : index
    %swap3A_429 = vector.load %arg6[%swap3A_425, %swap3A_426, %swap3A_427, %swap3A_428] : memref<12x16x8x384xf32, #tpu.memory_space<vmem>>, vector<12x1x8x384xf32>
    %swap3A_430 = vector.shape_cast %swap3A_429 : vector<12x1x8x384xf32> to vector<12x8x384xf32>
    %swap3A_431 = vector.shape_cast %reshape3A_424 : vector<12x8x384xf32> to vector<12x1x8x384xf32>
    tpu.vector_store %arg6[%swap3A_425, %swap3A_426, %swap3A_427, %swap3A_428], %swap3A_431 {strides = array<i32>} : memref<12x16x8x384xf32, #tpu.memory_space<vmem>>, vector<12x1x8x384xf32>,
    %slice3A_432 = vector.extract_strided_slice %mul3A_369 {offsets = [0, 2688], sizes = [96, 384], strides = [1, 1]} : vector<96x6144xf32> to vector<96x384xf32>
    %reshape3A_433 = vector.shape_cast %slice3A_432 : vector<96x384xf32> to vector<12x8x384xf32>
    %swap3A_434 = arith.constant 0 : index
    %swap3A_435 = arith.constant 7 : index
    %swap3A_436 = arith.constant 0 : index
    %swap3A_437 = arith.constant 0 : index
    %swap3A_438 = vector.load %arg6[%swap3A_434, %swap3A_435, %swap3A_436, %swap3A_437] : memref<12x16x8x384xf32, #tpu.memory_space<vmem>>, vector<12x1x8x384xf32>
    %swap3A_439 = vector.shape_cast %swap3A_438 : vector<12x1x8x384xf32> to vector<12x8x384xf32>
    %swap3A_440 = vector.shape_cast %reshape3A_433 : vector<12x8x384xf32> to vector<12x1x8x384xf32>
    tpu.vector_store %arg6[%swap3A_434, %swap3A_435, %swap3A_436, %swap3A_437], %swap3A_440 {strides = array<i32>} : memref<12x16x8x384xf32, #tpu.memory_space<vmem>>, vector<12x1x8x384xf32>,
    %slice3A_441 = vector.extract_strided_slice %mul3A_369 {offsets = [0, 3072], sizes = [96, 384], strides = [1, 1]} : vector<96x6144xf32> to vector<96x384xf32>
    %reshape3A_442 = vector.shape_cast %slice3A_441 : vector<96x384xf32> to vector<12x8x384xf32>
    %swap3A_443 = arith.constant 0 : index
    %swap3A_444 = arith.constant 8 : index
    %swap3A_445 = arith.constant 0 : index
    %swap3A_446 = arith.constant 0 : index
    %swap3A_447 = vector.load %arg6[%swap3A_443, %swap3A_444, %swap3A_445, %swap3A_446] : memref<12x16x8x384xf32, #tpu.memory_space<vmem>>, vector<12x1x8x384xf32>
    %swap3A_448 = vector.shape_cast %swap3A_447 : vector<12x1x8x384xf32> to vector<12x8x384xf32>
    %swap3A_449 = vector.shape_cast %reshape3A_442 : vector<12x8x384xf32> to vector<12x1x8x384xf32>
    tpu.vector_store %arg6[%swap3A_443, %swap3A_444, %swap3A_445, %swap3A_446], %swap3A_449 {strides = array<i32>} : memref<12x16x8x384xf32, #tpu.memory_space<vmem>>, vector<12x1x8x384xf32>,
    %slice3A_450 = vector.extract_strided_slice %mul3A_369 {offsets = [0, 3456], sizes = [96, 384], strides = [1, 1]} : vector<96x6144xf32> to vector<96x384xf32>
    %reshape3A_451 = vector.shape_cast %slice3A_450 : vector<96x384xf32> to vector<12x8x384xf32>
    %swap3A_452 = arith.constant 0 : index
    %swap3A_453 = arith.constant 9 : index
    %swap3A_454 = arith.constant 0 : index
    %swap3A_455 = arith.constant 0 : index
    %swap3A_456 = vector.load %arg6[%swap3A_452, %swap3A_453, %swap3A_454, %swap3A_455] : memref<12x16x8x384xf32, #tpu.memory_space<vmem>>, vector<12x1x8x384xf32>
    %swap3A_457 = vector.shape_cast %swap3A_456 : vector<12x1x8x384xf32> to vector<12x8x384xf32>
    %swap3A_458 = vector.shape_cast %reshape3A_451 : vector<12x8x384xf32> to vector<12x1x8x384xf32>
    tpu.vector_store %arg6[%swap3A_452, %swap3A_453, %swap3A_454, %swap3A_455], %swap3A_458 {strides = array<i32>} : memref<12x16x8x384xf32, #tpu.memory_space<vmem>>, vector<12x1x8x384xf32>,
    %slice3A_459 = vector.extract_strided_slice %mul3A_369 {offsets = [0, 3840], sizes = [96, 384], strides = [1, 1]} : vector<96x6144xf32> to vector<96x384xf32>
    %reshape3A_460 = vector.shape_cast %slice3A_459 : vector<96x384xf32> to vector<12x8x384xf32>
    %swap3A_461 = arith.constant 0 : index
    %swap3A_462 = arith.constant 10 : index
    %swap3A_463 = arith.constant 0 : index
    %swap3A_464 = arith.constant 0 : index
    %swap3A_465 = vector.load %arg6[%swap3A_461, %swap3A_462, %swap3A_463, %swap3A_464] : memref<12x16x8x384xf32, #tpu.memory_space<vmem>>, vector<12x1x8x384xf32>
    %swap3A_466 = vector.shape_cast %swap3A_465 : vector<12x1x8x384xf32> to vector<12x8x384xf32>
    %swap3A_467 = vector.shape_cast %reshape3A_460 : vector<12x8x384xf32> to vector<12x1x8x384xf32>
    tpu.vector_store %arg6[%swap3A_461, %swap3A_462, %swap3A_463, %swap3A_464], %swap3A_467 {strides = array<i32>} : memref<12x16x8x384xf32, #tpu.memory_space<vmem>>, vector<12x1x8x384xf32>,
    %slice3A_468 = vector.extract_strided_slice %mul3A_369 {offsets = [0, 4224], sizes = [96, 384], strides = [1, 1]} : vector<96x6144xf32> to vector<96x384xf32>
    %reshape3A_469 = vector.shape_cast %slice3A_468 : vector<96x384xf32> to vector<12x8x384xf32>
    %swap3A_470 = arith.constant 0 : index
    %swap3A_471 = arith.constant 11 : index
    %swap3A_472 = arith.constant 0 : index
    %swap3A_473 = arith.constant 0 : index
    %swap3A_474 = vector.load %arg6[%swap3A_470, %swap3A_471, %swap3A_472, %swap3A_473] : memref<12x16x8x384xf32, #tpu.memory_space<vmem>>, vector<12x1x8x384xf32>
    %swap3A_475 = vector.shape_cast %swap3A_474 : vector<12x1x8x384xf32> to vector<12x8x384xf32>
    %swap3A_476 = vector.shape_cast %reshape3A_469 : vector<12x8x384xf32> to vector<12x1x8x384xf32>
    tpu.vector_store %arg6[%swap3A_470, %swap3A_471, %swap3A_472, %swap3A_473], %swap3A_476 {strides = array<i32>} : memref<12x16x8x384xf32, #tpu.memory_space<vmem>>, vector<12x1x8x384xf32>,
    %slice3A_477 = vector.extract_strided_slice %mul3A_369 {offsets = [0, 4608], sizes = [96, 384], strides = [1, 1]} : vector<96x6144xf32> to vector<96x384xf32>
    %reshape3A_478 = vector.shape_cast %slice3A_477 : vector<96x384xf32> to vector<12x8x384xf32>
    %swap3A_479 = arith.constant 0 : index
    %swap3A_480 = arith.constant 12 : index
    %swap3A_481 = arith.constant 0 : index
    %swap3A_482 = arith.constant 0 : index
    %swap3A_483 = vector.load %arg6[%swap3A_479, %swap3A_480, %swap3A_481, %swap3A_482] : memref<12x16x8x384xf32, #tpu.memory_space<vmem>>, vector<12x1x8x384xf32>
    %swap3A_484 = vector.shape_cast %swap3A_483 : vector<12x1x8x384xf32> to vector<12x8x384xf32>
    %swap3A_485 = vector.shape_cast %reshape3A_478 : vector<12x8x384xf32> to vector<12x1x8x384xf32>
    tpu.vector_store %arg6[%swap3A_479, %swap3A_480, %swap3A_481, %swap3A_482], %swap3A_485 {strides = array<i32>} : memref<12x16x8x384xf32, #tpu.memory_space<vmem>>, vector<12x1x8x384xf32>,
    %slice3A_486 = vector.extract_strided_slice %mul3A_369 {offsets = [0, 4992], sizes = [96, 384], strides = [1, 1]} : vector<96x6144xf32> to vector<96x384xf32>
    %reshape3A_487 = vector.shape_cast %slice3A_486 : vector<96x384xf32> to vector<12x8x384xf32>
    %swap3A_488 = arith.constant 0 : index
    %swap3A_489 = arith.constant 13 : index
    %swap3A_490 = arith.constant 0 : index
    %swap3A_491 = arith.constant 0 : index
    %swap3A_492 = vector.load %arg6[%swap3A_488, %swap3A_489, %swap3A_490, %swap3A_491] : memref<12x16x8x384xf32, #tpu.memory_space<vmem>>, vector<12x1x8x384xf32>
    %swap3A_493 = vector.shape_cast %swap3A_492 : vector<12x1x8x384xf32> to vector<12x8x384xf32>
    %swap3A_494 = vector.shape_cast %reshape3A_487 : vector<12x8x384xf32> to vector<12x1x8x384xf32>
    tpu.vector_store %arg6[%swap3A_488, %swap3A_489, %swap3A_490, %swap3A_491], %swap3A_494 {strides = array<i32>} : memref<12x16x8x384xf32, #tpu.memory_space<vmem>>, vector<12x1x8x384xf32>,
    %slice3A_495 = vector.extract_strided_slice %mul3A_369 {offsets = [0, 5376], sizes = [96, 384], strides = [1, 1]} : vector<96x6144xf32> to vector<96x384xf32>
    %reshape3A_496 = vector.shape_cast %slice3A_495 : vector<96x384xf32> to vector<12x8x384xf32>
    %swap3A_497 = arith.constant 0 : index
    %swap3A_498 = arith.constant 14 : index
    %swap3A_499 = arith.constant 0 : index
    %swap3A_500 = arith.constant 0 : index
    %swap3A_501 = vector.load %arg6[%swap3A_497, %swap3A_498, %swap3A_499, %swap3A_500] : memref<12x16x8x384xf32, #tpu.memory_space<vmem>>, vector<12x1x8x384xf32>
    %swap3A_502 = vector.shape_cast %swap3A_501 : vector<12x1x8x384xf32> to vector<12x8x384xf32>
    %swap3A_503 = vector.shape_cast %reshape3A_496 : vector<12x8x384xf32> to vector<12x1x8x384xf32>
    tpu.vector_store %arg6[%swap3A_497, %swap3A_498, %swap3A_499, %swap3A_500], %swap3A_503 {strides = array<i32>} : memref<12x16x8x384xf32, #tpu.memory_space<vmem>>, vector<12x1x8x384xf32>,
    %slice3A_504 = vector.extract_strided_slice %mul3A_369 {offsets = [0, 5760], sizes = [96, 384], strides = [1, 1]} : vector<96x6144xf32> to vector<96x384xf32>
    %reshape3A_505 = vector.shape_cast %slice3A_504 : vector<96x384xf32> to vector<12x8x384xf32>
    %swap3A_506 = arith.constant 0 : index
    %swap3A_507 = arith.constant 15 : index
    %swap3A_508 = arith.constant 0 : index
    %swap3A_509 = arith.constant 0 : index
    %swap3A_510 = vector.load %arg6[%swap3A_506, %swap3A_507, %swap3A_508, %swap3A_509] : memref<12x16x8x384xf32, #tpu.memory_space<vmem>>, vector<12x1x8x384xf32>
    %swap3A_511 = vector.shape_cast %swap3A_510 : vector<12x1x8x384xf32> to vector<12x8x384xf32>
    %swap3A_512 = vector.shape_cast %reshape3A_505 : vector<12x8x384xf32> to vector<12x1x8x384xf32>
    tpu.vector_store %arg6[%swap3A_506, %swap3A_507, %swap3A_508, %swap3A_509], %swap3A_512 {strides = array<i32>} : memref<12x16x8x384xf32, #tpu.memory_space<vmem>>, vector<12x1x8x384xf32>,
    return
  }
  func.func @transform_0(%arg0: i32, %arg1: i32) -> (i32, i32, i32) {
    %c0_i32 = arith.constant 0 : i32
    %c0_i32_0 = arith.constant 0 : i32
    %c0_i32_1 = arith.constant 0 : i32
    %c0_i32_2 = arith.constant 0 : i32
    return %c0_i32, %c0_i32_0, %c0_i32_1 : i32, i32, i32
  }
  func.func @transform_1(%arg0: i32, %arg1: i32) -> (i32, i32) {
    %c0_i32 = arith.constant 0 : i32
    %c0_i32_0 = arith.constant 0 : i32
    %c0_i32_1 = arith.constant 0 : i32
    return %c0_i32, %c0_i32_0 : i32, i32
  }
  func.func @transform_2(%arg0: i32, %arg1: i32) -> (i32, i32, i32, i32) {
    %mul3A = arith.constant 12 : i32
    %mul3A_0 = arith.muli %arg0, %mul3A : i32
    %mul3A_1 = arith.constant 16 : i32
    %mul3A_2 = arith.muli %arg1, %mul3A_1 : i32
    %sub3A = arith.constant 1 : i32
    %sub3A_3 = arith.subi %mul3A_2, %sub3A : i32
    %max3A = arith.constant 0 : i32
    %max3A_4 = arith.maxsi %sub3A_3, %max3A : i32
    %c0_i32 = arith.constant 0 : i32
    %c0_i32_5 = arith.constant 0 : i32
    %c0_i32_6 = arith.constant 0 : i32
    return %mul3A_0, %max3A_4, %c0_i32, %c0_i32_5 : i32, i32, i32, i32
  }
  func.func @transform_3(%arg0: i32, %arg1: i32) -> (i32, i32, i32) {
    %c0_i32 = arith.constant 0 : i32
    %c0_i32_0 = arith.constant 0 : i32
    return %arg0, %arg1, %c0_i32 : i32, i32, i32
  }
  func.func @transform_4(%arg0: i32, %arg1: i32) -> (i32, i32, i32, i32) {
    %c0_i32 = arith.constant 0 : i32
    %c0_i32_0 = arith.constant 0 : i32
    %c0_i32_1 = arith.constant 0 : i32
    return %arg0, %arg1, %c0_i32, %c0_i32_0 : i32, i32, i32, i32
  }
}

</mosaic_0001>

<sc_bundles>
// kernel: sparse-core-data-format-call.1.cloned.1.call-start
scs
called_computation.1_lowered:
.L_overlay_start_0:
0x0: {  	s2 =	sld [smem:$0x3FD9]  }
0x1: {  	s3 =	sld [smem:$0x3FFE];
	_ =	sdelay $0x1  }
0x2: {  	s1 =	srdreg.scid  }
0x3: {  	s0 =	sand.u32 $0x1, s1  }
0x4: {  	s19 =	sshll.u32 s0, $0xA;
	s2 =	sadd.s32 s3, s2  }
0x5: {  	s2 =	sadd.s32 s2, s19  }
0x6: {  	[smem:$0x3FC4] =	sst s2  }
0x7: {  	_ = 	snop  }
0x8: {  	s2 =	sld [smem:$0x3FC9]  }
0x9: {  	s20 =	sld [smem:$0x3FD0];
	(tm) =	ssettm $0x1  }
0xa: {  	s4 =	sld [smem:$0x3FFB];
	_ =	sdelay $0x3  }
0xb: {  	_ =	strace s4  }
0xc: {  	s4 =	sld [smem:$0x3FFC];
	_ =	sdelay $0x3  }
0xd: {  	_ =	strace s4  }
0xe: {  	s4 =	sld [smem:$0x3FFD];
	_ =	sdelay $0x3  }
0xf: {  	_ =	strace s4  }
0x10: {  	_ =	strace $0x8FFFFFFF  }
0x11: {  	s21 =	sld [smem:$0x3FDB];
	_ =	sdelay $0x1  }
0x12: {  	s5 =	simm.s32 $_scs_section_size  }
0x13: {  	s6 =	simm.s32 $_size__tile_overlayer_lowered;
	s7 =	simm.s32 $_tile_overlayer_lowered  }
0x14: {  	s24 =	simm.s32 $0x1BFF;
	s23 =	sshll.u32 s7, $0x1;
	s4 =	sadd.s32 s5, s21  }
0x15: {  	s8 =	simm.s32 $0x0;
	s22 =	sshll.u32 s6, $0x1;
	s6 =	sadd.s32 s23, s4  }
0x16: {  	[timem:s8], [sflag:s24] =	dma.local [hbm:s6], s22  }
0x17: {  	_ =	swait.ge [sflag:s24], s22  }
0x18: {  	s5 =	ssub.s32 $0x0, s22;
	[sflag:s24] =	ssyncset.done $0x0  }
0x19: {  	[sflag:s24] =	ssyncadd.s32 s5;
	_ =	sdelay $0x1  }
0x1a: {  	s25 =	simm.s32 $0x1B8B  }
0x1b: {  	_ =	swait.ge [sflag:s25], $0x1  }
0x1c: {  	[sflag:s25] =	ssyncset.done $0x0  }
0x1d: {  	s26 =	simm.s32 $0x1B8E;
	[sflag:s25] =	ssyncadd.s32 $0xFFFFFFFF  }
0x1e: {  	s27 =	simm.s32 $execute0_lowered;
	[smem:$0x3FD2] =	sst s26  }
0x1f: {  	s5 =	sshll.u32 s27, $0x1;
	_ =	strace $0x80000046;
	[dreg:$0x1] =	wrdreg $0xFFFFFFFF  }
0x20: {  	s28 =	simm.s32 $_size_execute0_lowered;
	s4 =	sadd.s32 s4, s5;
	[dreg:$0x0] =	wrdreg $0x0  }
0x21: {  	s5 =	sshll.u32 s28, $0x1;
	[dreg:$0x2] =	wrdreg s4  }
0x22: {  	[dreg:$0x3] =	wrdreg s5  }
0x23: {  	[dreg:$0x4] =	wrdreg $0xC0  }
0x24: {  	_ =	task [dreg:s8], $0x5FFFF  }
0x25: {  	[dreg:$0x1] =	wrdreg $0xFFFFFFFF  }
0x26: {  	[dreg:$0x0] =	wrdreg $0x60  }
0x27: {  	[dreg:$0x2] =	wrdreg s2  }
0x28: {  	[dreg:$0x3] =	wrdreg s20  }
0x29: {  	[dreg:$0x4] =	wrdreg $0x9  }
0x2a: {  	_ =	task.clear_ibuf [dreg:s8], $0x5FFFF;
	_ =	strace $0x90000046  }
0x2b: {  	s29 =	simm.s32 $0x9;
	_ =	strace $0x80000048  }
0x2c: {  	_ =	swait.ge [sflag:s29], $0x1  }
0x2d: {  	[sflag:s29] =	ssyncadd.s32 $0xFFFFFFFF  }
0x2e: {  	_ =	strace $0x90000048  }
0x2f: {  	_ =	sfence  }
0x30: {  	s30 =	sld [smem:$0x0];
	_ =	sdelay $0x2  }
0x31: {  	s31 =	sshll.u32 s1, $0xD;
	s1 =	sshrl.u32 s1, $0x2  }
0x32: {  	s3 =	sand.u32 $0x4000, s31;
	s1 =	sadd.s32 s1, s30  }
0x33: {  	s0 =	sor.u32 s3, s0;
	s1 =	sshll.u32 s1, $0x11  }
0x34: {  	s0 =	sor.u32 s1, s0  }
0x35: {  	s0 =	sadd.s32 $0x8F2B, s0  }
0x36: {  	[sflag:s0] =	ssyncadd.remote.s32 $0x1  }
0x37: {  	_ =	sfence.sel $0xFFFF  }
0x38: {  	[dreg:$0x0] =	wrdreg $0xFFFFFFFF;
	(pc) =	sbr.abs _section_cstart, $3  }
0x39: {  	[dreg:$0x1] =	wrdreg $0xFFFFFFFF  }
0x3a: {  	_ =	task.clear_ibuf [dreg:s8], $0x2FFFF;
	_ =	strace $0x9FFFFFFF  }
0x3b: {  	(tm) =	ssettm $0x7FFFFFFF  }
tec
execute0_lowered:
.L_overlay_start_1:
0x0: {  	(tag) =	ssettag $0x1  }
0x1: {  	s2 =	rddreg [dreg:$0x0]  }
0x2: {  	s0 =	stileid.u32;
	s5 =	rddreg [dreg:$0x1]  }
0x3: {  	s9 =	srdreg.scid;
	s31 =	simm.s32 $0x2;
	s20 =	simm.s32 $0x0  }
0x4: {  	p0 =	por $0x0, $0x0;
	s10 =	simm.s32 $0xC00;
	s17 =	simm.s32 $0x0  }
0x5: {  	s21 =	simm.s32 $0x0;
	s1 =	sand.u32 $0x1, s0;
	s3 =	sshrl.u32 s0, $0x1  }
0x6: {  	s18 =	simm.s32 $0x0;
	s3 =	sand.u32 $0x1, s3;
	s4 =	ssub.s32 $0x2, s1  }
0x7: {  	s19 =	simm.s32 $0x0;
	s6 =	sshrl.u32 s4, $0x1;
	s7 =	ssub.s32 $0xC, s3  }
0x8: {  	s4 =	sand.u32 $0x1, s4;
	s8 =	sshrl.u32 s7, $0x1;
	s7 =	sand.u32 $0x1, s7  }
0x9: {  	s11 =	simm.s32 $0x0;
	s6 =	sadd.s32 s4, s6;
	s7 =	sadd.s32 s7, s8  }
0xa: {  	s12 =	simm.s32 $0x0;
	s29 =	sshll.u32 s9, $0x4;
	s7 =	smul.u32 s7, s6  }
.Ltmp0:
0xb: {  	s16 =	simm.s32 $0x0;
	s30 =	sand.u32 $0x10, s29;
	(pc) =	sbr.rel .LBB1_1-.Ltmp0, $4  }
0xc: {  	s15 =	smov.u32 s1;
	s4 =	rddreg [dreg:$0x2];
	_ =	strace $0x80000047  }
0xd: {  	s8 =	sor.u32 s0, s30;
	s6 =	simm.s32 $0x1;
	s7 =	smul.u32 $0x9, s7  }
0xe: {  	s14 =	smov.u32 s3;
	s8 =	sshrl.u32 s8, $0x2;
	[sflag:s6] =	ssyncpa.u1 $0x0  }
0xf: {  	s13 =	smov.u32 s8;
	[sflag:s31] =	ssyncpa.u1 $0x0;
	s9 =	sadd.s32 $0x1, s7  }
.LBB1_4:
0x10: {  	_ =	sdelay $0x2  }
0x11: {  	s25 =	sshrl.u32 s21, $0x3  }
0x12: {  	s26 =	sshll.u32 s20, $0x3;
	[tilespmem:v0+s24+$0xFFFFFFA0 ss:$0x1] =	vst.idx.msk $0xffff, v6;
	s25 =	smul.u32 $0xC00, s25  }
0x13: {  	s31 =	sshll.u32 s21, $0x7;
	v56 =	vld.idx.msk [tilespmem:v1+s23+$0x30 ss:$0x1], $0xffff;
	[tilespmem:v0+s24+$0xFFFFFFB0 ss:$0x1] =	vst.idx.msk $0xffff, v5;
	s26 =	sand.u32 $0xFFFFFC00, s26  }
0x14: {  	v57 =	vld.idx.msk [tilespmem:v1+s23+$0xFFFFFFC0 ss:$0x1], $0xffff;
	[tilespmem:v0+s24+$0xFFFFFFC0 ss:$0x1] =	vst.idx.msk $0xffff, v3;
	s21 =	sand.u32 $0x380, s31;
	s25 =	sadd.s32 s25, s26  }
0x15: {  	s27 =	sand.u32 $0x7F, s20;
	v58 =	vld.idx.msk [tilespmem:v1+s23+$0xFFFFFFD0 ss:$0x1], $0xffff;
	[tilespmem:v0+s24+$0xFFFFFFD0 ss:$0x1] =	vst.idx.msk $0xffff, v2;
	s21 =	sor.u32 s21, s25  }
0x16: {  	v59 =	vld.idx.msk [tilespmem:v1+s23+$0xFFFFFFE0 ss:$0x1], $0xffff;
	[tilespmem:v0+s24+$0xFFFFFFE0 ss:$0x1] =	vst.idx.msk $0xffff, v4;
	s19 =	smul.u32 $0x1B0000, s19;
	s20 =	sor.u32 s27, s21  }
0x17: {  	[tilespmem:v0+s24+$0xFFFFFFF0 ss:$0x1] =	vst.idx.msk $0xffff, v7;
	v60 =	vld.idx.msk [tilespmem:v1+s23+$0xFFFFFFF0 ss:$0x1], $0xffff;
	s28 =	smulhi.u32 $0xAAAAAAAB, s20  }
0x18: {  	v61 =	vld.idx.msk [tilespmem:v1+s23+$0x0 ss:$0x1], $0xffff;
	[tilespmem:v0+s23+$0x0 ss:$0x1] =	vst.idx.msk $0xffff, v56;
	s21 =	smulhi.u32 $0xAAAAAAAB, s21  }
0x19: {  	v62 =	vld.idx.msk [tilespmem:v1+s23+$0x10 ss:$0x1], $0xffff;
	s18 =	smul.u32 $0x24000, s18;
	[tilespmem:v0+s23+$0xFFFFFF90 ss:$0x1] =	vst.idx.msk $0xffff, v57;
	s25 =	sshrl.u32 s28, $0x8  }
0x1a: {  	v63 =	vld.idx.msk [tilespmem:v1+s23+$0x20 ss:$0x1], $0xffff;
	[tilespmem:v0+s23+$0xFFFFFFA0 ss:$0x1] =	vst.idx.msk $0xffff, v58;
	s21 =	sshrl.u32 s21, $0x8;
	s29 =	smul.u32 $0x180, s25  }
0x1b: {  	s17 =	smul.u32 $0x180, s17;
	s19 =	sadd.s32 s5, s19;
	[tilespmem:v0+s23+$0xFFFFFFB0 ss:$0x1] =	vst.idx.msk $0xffff, v59;
	s21 =	sand.u32 $0x7, s21  }
0x1c: {  	s18 =	sadd.s32 s18, s19;
	[tilespmem:v0+s23+$0xFFFFFFC0 ss:$0x1] =	vst.idx.msk $0xffff, v60;
	s21 =	smul.u32 $0x30, s21;
	s20 =	ssub.s32 s20, s29  }
0x1d: {  	s17 =	sadd.s32 s17, s18;
	[tilespmem:v0+s23+$0xFFFFFFD0 ss:$0x1] =	vst.idx.msk $0xffff, v61;
	s30 =	sand.u32 $0x7, s20  }
0x1e: {  	[tilespmem:v0+s23+$0xFFFFFFE0 ss:$0x1] =	vst.idx.msk $0xffff, v62;
	s17 =	sadd.s32 s21, s17;
	s31 =	sshrl.u32 s20, $0x3;
	s18 =	sshll.u32 s30, $0x12  }
0x1f: {  	[tilespmem:v0+s23+$0xFFFFFFF0 ss:$0x1] =	vst.idx.msk $0xffff, v63;
	s17 =	sadd.s32 s31, s17;
	s18 =	sor.u32 $0x80, s18  }
0x20: {  	[hbm4b:s17+s18] =	stream.strided.scatter [tilespmem:s22], [sflag:$0x2], $0x4000, s10, s18, $0x38;
	[tilespmem:$0x10000] =	vst v63  }
.LBB1_5:
0x21: {  	s22 =	sadd.s32 $0x80, s11  }
0x22: {  	s17 =	sadd.s32 $0x80, s12;
	s23 =	smov.u32 s12;
	p2 =	sgt.s32 s22, $0x17F  }
0x23: {  	s23 =	smov.u32 @p2 s17  }
0x24: {  	s24 =	smov.u32 s13;
	s17 =	sadd.s32 $0x8, s13;
	p3 =	sgt.s32 s23, $0x17F  }
0x25: {  	s24 =	smov.u32 @p3 s17  }
0x26: {  	s25 =	smov.u32 s14;
	s17 =	sadd.s32 $0x2, s14;
	p4 =	sgt.s32 s24, $0x7  }
0x27: {  	p1 =	slt.u32 s16, $0x2;
	s26 =	smov.u32 s15;
	s25 =	smov.u32 @p4 s17  }
0x28: {  	s20 =	smov.u32 s11;
	s17 =	sadd.s32 $0x2, s15;
	p5 =	sgt.s32 s25, $0xB  }
0x29: {  	s21 =	smov.u32 s13;
	s18 =	smov.u32 s14;
	s26 =	smov.u32 @p5 s17  }
0x2a: {  	s19 =	smov.u32 s15;
	s22 =	simm.s32 @p2 $0x0;
	p2 =	sgt.s32 s26, $0x1  }
0x2b: {  	s27 =	simm.s32 @!p1 $0x2;
	s26 =	smov.u32 @p2 s1;
	p2 =	sne.s32 s16, s9  }
.Ltmp1:
0x2c: {  	p0 =	por !p0, !p0;
	_ =	swait.ge @!p1 [sflag:s27], $0x4000;
	(pc) =	sbr.rel @!p2 .LBB1_6-.Ltmp1, $4  }
0x2d: {  	[sflag:s27] =	ssyncset.done @!p1 $0x0;
	s11 =	smov.u32 s22;
	s24 =	smov.u32 @p4 s8  }
0x2e: {  	s23 =	simm.s32 @p3 $0x0;
	[sflag:s27] =	ssyncadd.s32 @!p1 $0xFFFFC000;
	s13 =	smov.u32 s24  }
0x2f: {  	s25 =	smov.u32 @p5 s3;
	s17 =	smov.u32 s12;
	s12 =	smov.u32 s23  }
0x30: {  	s14 =	smov.u32 s25;
	s16 =	sadd.s32 $0x1, s16;
	s15 =	smov.u32 s26  }
.LBB1_1:
0x31: {  	p1 =	sge.u32 s16, s7  }
0x32: {  	s22 =	sshrl.u32 @!p1 s12, $0x3  }
0x33: {  	s23 =	sshll.u32 @!p1 s11, $0x3;
	s22 =	smul.u32 @!p1 $0xC00, s22  }
0x34: {  	s24 =	sshll.u32 @!p1 s12, $0x7;
	s23 =	sand.u32 @!p1 $0xFFFFFC00, s23  }
0x35: {  	s22 =	sadd.s32 @!p1 s22, s23;
	s23 =	sand.u32 @!p1 $0x380, s24  }
0x36: {  	s24 =	sand.u32 @!p1 $0x7F, s11;
	s22 =	sor.u32 @!p1 s23, s22  }
0x37: {  	s23 =	sor.u32 @!p1 s24, s22;
	s22 =	smulhi.u32 @!p1 $0xAAAAAAAB, s22  }
0x38: {  	s27 =	smul.u32 @!p1 $0x1B0000, s15  }
0x39: {  	s24 =	smulhi.u32 @!p1 $0xAAAAAAAB, s23;
	s22 =	sshrl.u32 @!p1 s22, $0x8  }
0x3a: {  	s25 =	smulhi.u32 @!p1 $0xAAAAAB, s22  }
0x3b: {  	s28 =	smul.u32 @!p1 $0x24000, s14  }
0x3c: {  	s26 =	sxor.u32 @!p1 $0xFFFFFFFF, s16;
	s24 =	sshrl.u32 @!p1 s24, $0x8;
	s25 =	smul.u32 @!p1 $0x180, s25  }
0x3d: {  	s31 =	sadd.s32 $0xFFFFFFFF, s16;
	s26 =	sshll.u32 @!p1 s26, $0xE;
	s24 =	smul.u32 @!p1 $0x180, s24  }
0x3e: {  	s27 =	sadd.s32 @!p1 s2, s27;
	s22 =	ssub.s32 @!p1 s22, s25;
	s25 =	smul.u32 @!p1 $0x4800, s13  }
0x3f: {  	s23 =	ssub.s32 @!p1 s23, s24;
	s24 =	sadd.s32 @!p1 s28, s27;
	s22 =	smul.u32 @!p1 $0x30, s22  }
0x40: {  	s26 =	sand.u32 @!p1 $0x4000, s26;
	s24 =	sadd.s32 @!p1 s25, s24;
	s25 =	sand.u32 @!p1 $0x7, s23  }
0x41: {  	s23 =	sshrl.u32 @!p1 s23, $0x3;
	s22 =	sadd.s32 @!p1 s22, s24;
	s24 =	sshll.u32 @!p1 s25, $0x12  }
0x42: {  	s22 =	sadd.s32 @!p1 s23, s22;
	s23 =	sor.u32 @!p1 $0x400, s24;
	s24 =	simm.s32 @!p1 $0xC00  }
0x43: {  	[tilespmem:s26], [sflag:$0x1] =	stream.strided.gather @!p1 [hbm4b:s22+s23], $0x4000, s24, s23, $0x38;
	[tilespmem:$0x10000] =	vst v63  }
0x44: {  	p1 =	sge.u32 s31, s7  }
.Ltmp2:
0x45: {  	_ = 	snop;
	(pc) =	sbr.rel @p1 .LBB1_5-.Ltmp2, $1  }
0x46: {  	_ =	sdelay $0x3  }
0x47: {  	s22 =	simm.s32 $0x1  }
0x48: {  	s22 =	simm.s32 @!p0 $0x0  }
0x49: {  	s22 =	sshll.u32 s22, $0xE  }
0x4a: {  	s23 =	sor.u32 $0x40, s22  }
0x4b: {  	v1 =	vmov s23;
	_ =	sdelay $0x1  }
0x4c: {  	_ =	swait.ge [sflag:s6], $0x4000  }
0x4d: {  	[sflag:s6] =	ssyncset.done $0x0  }
0x4e: {  	s24 =	simm.s32 $0x0;
	[sflag:s6] =	ssyncadd.s32 $0xFFFFC000  }
0x4f: {  	s22 =	sor.u32 $0x8070, s22;
	v7 =	vld.idx.msk [tilespmem:v1+s24+$0x30 ss:$0x1], $0xffff  }
0x50: {  	v0 =	vmov s22;
	v8 =	vld.idx.msk [tilespmem:v1+s24+$0xFFFFFFC0 ss:$0x1], $0xffff  }
0x51: {  	v6 =	vld.idx.msk [tilespmem:v1+s24+$0xFFFFFFD0 ss:$0x1], $0xffff  }
0x52: {  	v5 =	vld.idx.msk [tilespmem:v1+s24+$0xFFFFFFE0 ss:$0x1], $0xffff  }
0x53: {  	v3 =	vld.idx.msk [tilespmem:v1+s24+$0xFFFFFFF0 ss:$0x1], $0xffff  }
0x54: {  	s31 =	sshll.u32 s16, $0xE;
	v2 =	vld.idx.msk [tilespmem:v1+s24+$0x0 ss:$0x1], $0xffff  }
0x55: {  	s22 =	sand.u32 $0x4000, s31;
	v4 =	vld.idx.msk [tilespmem:v1+s24+$0x10 ss:$0x1], $0xffff;
	[tilespmem:v0+s24+$0x0 ss:$0x1] =	vst.idx.msk $0xffff, v7  }
0x56: {  	s25 =	simm.s32 $0x400;
	s23 =	simm.s32 $0x80;
	s22 =	sor.u32 $0x8000, s22;
	[tilespmem:v0+s24+$0xFFFFFF90 ss:$0x1] =	vst.idx.msk $0xffff, v8;
	v7 =	vld.idx.msk [tilespmem:v1+s24+$0x20 ss:$0x1], $0xffff  }
.LBB1_3:
0x57: {  	p1 =	sne.s32 s25, $0xFE00;
	v8 =	vld.idx.msk [tilespmem:v1+s23+$0x30 ss:$0x1], $0xffff;
	[tilespmem:v0+s24+$0xFFFFFFA0 ss:$0x1] =	vst.idx.msk $0xffff, v6  }
0x58: {  	v9 =	vld.idx.msk [tilespmem:v1+s23+$0xFFFFFFC0 ss:$0x1], $0xffff;
	[tilespmem:v0+s24+$0xFFFFFFB0 ss:$0x1] =	vst.idx.msk $0xffff, v5  }
0x59: {  	v6 =	vld.idx.msk [tilespmem:v1+s23+$0xFFFFFFD0 ss:$0x1], $0xffff;
	[tilespmem:v0+s24+$0xFFFFFFC0 ss:$0x1] =	vst.idx.msk $0xffff, v3  }
.Ltmp3:
0x5a: {  	v5 =	vld.idx.msk [tilespmem:v1+s23+$0xFFFFFFE0 ss:$0x1], $0xffff;
	[tilespmem:v0+s24+$0xFFFFFFD0 ss:$0x1] =	vst.idx.msk $0xffff, v2;
	(pc) =	sbr.rel @p1 .LBB1_3-.Ltmp3, $4  }
0x5b: {  	v3 =	vld.idx.msk [tilespmem:v1+s23+$0xFFFFFFF0 ss:$0x1], $0xffff;
	[tilespmem:v0+s24+$0xFFFFFFE0 ss:$0x1] =	vst.idx.msk $0xffff, v4  }
0x5c: {  	v2 =	vld.idx.msk [tilespmem:v1+s23+$0x0 ss:$0x1], $0xffff;
	[tilespmem:v0+s24+$0xFFFFFFF0 ss:$0x1] =	vst.idx.msk $0xffff, v7;
	s24 =	smov.u32 s23  }
0x5d: {  	v4 =	vld.idx.msk [tilespmem:v1+s24+$0x10 ss:$0x1], $0xffff;
	[tilespmem:v0+s24+$0x0 ss:$0x1] =	vst.idx.msk $0xffff, v8  }
0x5e: {  	s23 =	sshra.s32 s25, $0x2;
	s25 =	sadd.s32 $0x200, s25;
	[tilespmem:v0+s24+$0xFFFFFF90 ss:$0x1] =	vst.idx.msk $0xffff, v9;
	v7 =	vld.idx.msk [tilespmem:v1+s24+$0x20 ss:$0x1], $0xffff  }
.Ltmp4:
0x5f: {  	_ = 	snop;
	(pc) =	sbr.rel .LBB1_4-.Ltmp4, $1  }
0x60: {  	_ =	sdelay $0x3  }
.LBB1_6:
0x61: {  	_ =	sfence.sel $0x180000  }
0x62: {  	s1 =	simm.s32 $0x1;
	[bflag:$0x0] =	sbarrier.arrive $0xFFFF  }
0x63: {  	s31 =	simm.s32 $0x2;
	[sflag:s1] =	ssyncpa.u1 $0x1  }
0x64: {  	[sflag:s31] =	ssyncpa.u1 $0x1  }
0x65: {  	p0 =	sne.s32 s0, $0x0;
	_ =	strace $0x90000047  }
0x66: {  	s0 =	sadd.s32 @!p0 $0x100000, s4;
	[bflag:$0x2] =	sbarrier.arrive $0xFFFF  }
0x67: {  	[sflag:s0] =	ssyncadd.tile.s32 @!p0 $0x1;
	_ =	shalt  }
.Lfunc_end1:
_tile_overlayer_lowered:
.L_overlay_start_2:
0x68: {  	(tag) =	ssettag $0x2  }
0x69: {  	s0 =	rddreg [dreg:$0x0];
	s2 =	stileid.u32  }
0x6a: {  	s1 =	rddreg [dreg:$0x1];
	p0 =	sne.s32 s2, $0x0  }
0x6b: {  	s3 =	rddreg [dreg:$0x2];
	[bflag:$0x3] =	sbarrier.arrive $0xFFFF;
	s2 =	simm.s32 @!p0 $0x1C01  }
0x6c: {  	[timem:s3], [sflag:s2] =	dma.local @!p0 [hbm:s0], s1  }
0x6d: {  	s0 =	simm.s32 @!p0 $0x1  }
0x6e: {  	_ =	swait.ge @!p0 [sflag:s0], s1  }
0x6f: {  	s1 =	ssub.s32 @!p0 $0x0, s1;
	[sflag:s0] =	ssyncset.done @!p0 $0x0  }
0x70: {  	[sflag:s0] =	ssyncadd.s32 @!p0 s1  }
0x71: {  	[bflag:$0x3] =	sbarrier.arrive $0xFFFF  }
0x72: {  	_ =	shalt  }

// kernel: sparse-core-data-format-call.cloned.1.call-start
scs
called_computation_lowered:
.L_overlay_start_0:
0x0: {  	s2 =	sld [smem:$0x3FD9]  }
0x1: {  	s3 =	sld [smem:$0x3FFE];
	_ =	sdelay $0x1  }
0x2: {  	s1 =	srdreg.scid  }
0x3: {  	s0 =	sand.u32 $0x1, s1  }
0x4: {  	s18 =	sshll.u32 s0, $0xA;
	s2 =	sadd.s32 s3, s2  }
0x5: {  	s2 =	sadd.s32 s2, s18  }
0x6: {  	[smem:$0x3FC4] =	sst s2  }
0x7: {  	_ = 	snop  }
0x8: {  	s2 =	sld [smem:$0x3FD0];
	(tm) =	ssettm $0x1  }
0x9: {  	s19 =	sld [smem:$0x3FFB];
	_ =	sdelay $0x3  }
0xa: {  	_ =	strace s19  }
0xb: {  	s3 =	sld [smem:$0x3FFC];
	_ =	sdelay $0x3  }
0xc: {  	_ =	strace s3  }
0xd: {  	s3 =	sld [smem:$0x3FFD];
	_ =	sdelay $0x3  }
0xe: {  	_ =	strace s3  }
0xf: {  	_ =	strace $0x8FFFFFFF  }
0x10: {  	s20 =	sld [smem:$0x3FDB];
	_ =	sdelay $0x1  }
0x11: {  	s4 =	simm.s32 $_scs_section_size  }
0x12: {  	s5 =	simm.s32 $_size__tile_overlayer_lowered;
	s6 =	simm.s32 $_tile_overlayer_lowered  }
0x13: {  	s23 =	simm.s32 $0x1BFF;
	s22 =	sshll.u32 s6, $0x1;
	s3 =	sadd.s32 s4, s20  }
0x14: {  	s7 =	simm.s32 $0x0;
	s21 =	sshll.u32 s5, $0x1;
	s5 =	sadd.s32 s22, s3  }
0x15: {  	[timem:s7], [sflag:s23] =	dma.local [hbm:s5], s21  }
0x16: {  	_ =	swait.ge [sflag:s23], s21  }
0x17: {  	s4 =	ssub.s32 $0x0, s21;
	[sflag:s23] =	ssyncset.done $0x0  }
0x18: {  	[sflag:s23] =	ssyncadd.s32 s4;
	_ =	sdelay $0x1  }
0x19: {  	s24 =	simm.s32 $0x1B8B  }
0x1a: {  	_ =	swait.ge [sflag:s24], $0x1  }
0x1b: {  	[sflag:s24] =	ssyncset.done $0x0  }
0x1c: {  	s26 =	simm.s32 $0x1B8E;
	s25 =	sld [smem:$0x3FFE];
	[sflag:s24] =	ssyncadd.s32 $0xFFFFFFFF  }
0x1d: {  	s27 =	simm.s32 $execute0_lowered;
	[smem:$0x3FD2] =	sst s26  }
0x1e: {  	s5 =	sshll.u32 s27, $0x1;
	_ =	strace $0x80000049;
	[dreg:$0x1] =	wrdreg $0xFFFFFFFF  }
0x1f: {  	s28 =	simm.s32 $_size_execute0_lowered;
	s3 =	sadd.s32 s3, s5;
	[dreg:$0x0] =	wrdreg $0x0  }
0x20: {  	s5 =	sshll.u32 s28, $0x1;
	[dreg:$0x2] =	wrdreg s3  }
0x21: {  	[dreg:$0x3] =	wrdreg s5  }
0x22: {  	[dreg:$0x4] =	wrdreg $0xC0  }
0x23: {  	_ =	task [dreg:s7], $0x5FFFF  }
0x24: {  	[dreg:$0x1] =	wrdreg $0xFFFFFFFF  }
0x25: {  	[dreg:$0x0] =	wrdreg $0x60  }
0x26: {  	[dreg:$0x2] =	wrdreg s25  }
0x27: {  	[dreg:$0x3] =	wrdreg s2  }
0x28: {  	[dreg:$0x4] =	wrdreg $0x9  }
0x29: {  	_ =	task.clear_ibuf [dreg:s7], $0x5FFFF;
	_ =	strace $0x90000049  }
0x2a: {  	s29 =	simm.s32 $0x9;
	_ =	strace $0x8000004B  }
0x2b: {  	_ =	swait.ge [sflag:s29], $0x1  }
0x2c: {  	[sflag:s29] =	ssyncadd.s32 $0xFFFFFFFF  }
0x2d: {  	_ =	strace $0x9000004B  }
0x2e: {  	_ =	sfence  }
0x2f: {  	s30 =	sld [smem:$0x0];
	_ =	sdelay $0x2  }
0x30: {  	s31 =	sshll.u32 s1, $0xD;
	s1 =	sshrl.u32 s1, $0x2  }
0x31: {  	s3 =	sand.u32 $0x4000, s31;
	s1 =	sadd.s32 s1, s30  }
0x32: {  	s0 =	sor.u32 s3, s0;
	s1 =	sshll.u32 s1, $0x11  }
0x33: {  	s0 =	sor.u32 s1, s0  }
0x34: {  	s0 =	sadd.s32 $0x8F2B, s0  }
0x35: {  	[sflag:s0] =	ssyncadd.remote.s32 $0x1  }
0x36: {  	_ =	sfence.sel $0xFFFF  }
0x37: {  	[dreg:$0x0] =	wrdreg $0xFFFFFFFF;
	(pc) =	sbr.abs _section_cstart, $3  }
0x38: {  	[dreg:$0x1] =	wrdreg $0xFFFFFFFF  }
0x39: {  	_ =	task.clear_ibuf [dreg:s7], $0x2FFFF;
	_ =	strace $0x9FFFFFFF  }
0x3a: {  	(tm) =	ssettm $0x7FFFFFFF  }
0x3b: {  	_ =	shalt  }
tec
execute0_lowered:
.L_overlay_start_1:
0x0: {  	(tag) =	ssettag $0x1  }
0x1: {  	s0 =	stileid.u32;
	s5 =	rddreg [dreg:$0x0]  }
0x2: {  	s4 =	rddreg [dreg:$0x1];
	s9 =	srdreg.scid  }
0x3: {  	s31 =	simm.s32 $0x2;
	s20 =	simm.s32 $0x0;
	p0 =	por $0x0, $0x0  }
0x4: {  	s10 =	simm.s32 $0xC00;
	s17 =	simm.s32 $0x0;
	s21 =	simm.s32 $0x0  }
0x5: {  	s18 =	simm.s32 $0x0;
	s1 =	sand.u32 $0x1, s0;
	s2 =	sshrl.u32 s0, $0x1  }
0x6: {  	s19 =	simm.s32 $0x0;
	s2 =	sand.u32 $0x1, s2;
	s3 =	ssub.s32 $0x2, s1  }
0x7: {  	s11 =	simm.s32 $0x0;
	s6 =	sshrl.u32 s3, $0x1;
	s7 =	ssub.s32 $0xC, s2  }
0x8: {  	s3 =	sand.u32 $0x1, s3;
	s8 =	sshrl.u32 s7, $0x1;
	s7 =	sand.u32 $0x1, s7  }
0x9: {  	s13 =	simm.s32 $0x0;
	s6 =	sadd.s32 s3, s6;
	s7 =	sadd.s32 s7, s8  }
0xa: {  	s16 =	simm.s32 $0x0;
	s29 =	sshll.u32 s9, $0x4;
	s7 =	smul.u32 s7, s6  }
.Ltmp0:
0xb: {  	s5 =	sadd.s32 $0xE00, s5;
	s30 =	sand.u32 $0x10, s29;
	(pc) =	sbr.rel .LBB1_1-.Ltmp0, $4  }
0xc: {  	s15 =	smov.u32 s1;
	s3 =	rddreg [dreg:$0x2];
	_ =	strace $0x8000004A  }
0xd: {  	s8 =	sor.u32 s0, s30;
	s6 =	simm.s32 $0x1;
	s7 =	smul.u32 $0x9, s7  }
0xe: {  	s14 =	smov.u32 s2;
	s8 =	sshrl.u32 s8, $0x2;
	[sflag:s6] =	ssyncpa.u1 $0x0  }
0xf: {  	s12 =	smov.u32 s8;
	[sflag:s31] =	ssyncpa.u1 $0x0;
	s9 =	sadd.s32 $0x1, s7  }
.LBB1_4:
0x10: {  	_ = 	snop  }
0x11: {  	s25 =	sshrl.u32 s21, $0x3  }
0x12: {  	s26 =	sshll.u32 s20, $0x3;
	s25 =	smul.u32 $0xC00, s25  }
0x13: {  	s30 =	sshll.u32 s21, $0x7;
	s26 =	sand.u32 $0xFFFFFC00, s26  }
0x14: {  	[tilespmem:v0+s24+$0xFFFFFFD0 ss:$0x1] =	vst.idx.msk $0xffff, v7;
	s21 =	sand.u32 $0x380, s30;
	s25 =	sadd.s32 s25, s26  }
0x15: {  	s31 =	sand.u32 $0x7F, s20;
	v56 =	vld.idx.msk [tilespmem:v1+s23+$0x0 ss:$0x1], $0xffff;
	[tilespmem:v0+s24+$0xFFFFFFE0 ss:$0x1] =	vst.idx.msk $0xffff, v5;
	s21 =	sor.u32 s21, s25  }
0x16: {  	v57 =	vld.idx.msk [tilespmem:v1+s23+$0xFFFFFF90 ss:$0x1], $0xffff;
	[tilespmem:v0+s24+$0xFFFFFFF0 ss:$0x1] =	vst.idx.msk $0xffff, v4;
	s20 =	sor.u32 s31, s21;
	s21 =	smulhi.u32 $0xAAAAAAAB, s21  }
0x17: {  	v58 =	vld.idx.msk [tilespmem:v1+s23+$0xFFFFFFA0 ss:$0x1], $0xffff;
	[tilespmem:v0+s24+$0x0 ss:$0x1] =	vst.idx.msk $0xffff, v2;
	s19 =	smul.u32 $0x1B0000, s19  }
0x18: {  	v59 =	vld.idx.msk [tilespmem:v1+s23+$0xFFFFFFB0 ss:$0x1], $0xffff;
	[tilespmem:v0+s24+$0x10 ss:$0x1] =	vst.idx.msk $0xffff, v3;
	s26 =	smulhi.u32 $0xAAAAAAAB, s20;
	s21 =	sshrl.u32 s21, $0x8  }
0x19: {  	[tilespmem:v0+s24+$0x20 ss:$0x1] =	vst.idx.msk $0xffff, v6;
	v60 =	vld.idx.msk [tilespmem:v1+s23+$0xFFFFFFC0 ss:$0x1], $0xffff;
	s27 =	smulhi.u32 $0xAAAAAB, s21  }
0x1a: {  	v61 =	vld.idx.msk [tilespmem:v1+s23+$0xFFFFFFD0 ss:$0x1], $0xffff;
	s18 =	smul.u32 $0x24000, s18;
	[tilespmem:v0+s23+$0x30 ss:$0x1] =	vst.idx.msk $0xffff, v56  }
0x1b: {  	v62 =	vld.idx.msk [tilespmem:v1+s23+$0xFFFFFFE0 ss:$0x1], $0xffff;
	[tilespmem:v0+s23+$0xFFFFFFC0 ss:$0x1] =	vst.idx.msk $0xffff, v57;
	s25 =	sshrl.u32 s26, $0x8;
	s29 =	smul.u32 $0x180, s27  }
0x1c: {  	v63 =	vld.idx.msk [tilespmem:v1+s23+$0xFFFFFFF0 ss:$0x1], $0xffff;
	[tilespmem:v0+s23+$0xFFFFFFD0 ss:$0x1] =	vst.idx.msk $0xffff, v58;
	s28 =	smul.u32 $0x180, s25  }
0x1d: {  	s17 =	smul.u32 $0x4800, s17;
	s19 =	sadd.s32 s4, s19;
	[tilespmem:v0+s23+$0xFFFFFFE0 ss:$0x1] =	vst.idx.msk $0xffff, v59;
	s21 =	ssub.s32 s21, s29  }
0x1e: {  	s18 =	sadd.s32 s18, s19;
	[tilespmem:v0+s23+$0xFFFFFFF0 ss:$0x1] =	vst.idx.msk $0xffff, v60;
	s20 =	ssub.s32 s20, s28;
	s21 =	smul.u32 $0x30, s21  }
0x1f: {  	s17 =	sadd.s32 s17, s18;
	[tilespmem:v0+s23+$0x0 ss:$0x1] =	vst.idx.msk $0xffff, v61;
	s30 =	sand.u32 $0x7, s20  }
0x20: {  	[tilespmem:v0+s23+$0x10 ss:$0x1] =	vst.idx.msk $0xffff, v62;
	s31 =	sshrl.u32 s20, $0x3;
	s18 =	sshll.u32 s30, $0x12;
	s17 =	sadd.s32 s21, s17  }
0x21: {  	[tilespmem:v0+s23+$0x20 ss:$0x1] =	vst.idx.msk $0xffff, v63;
	s18 =	sor.u32 $0x400, s18;
	s17 =	sadd.s32 s31, s17  }
0x22: {  	[hbm4b:s17+s18] =	stream.strided.scatter [tilespmem:s22], [sflag:$0x2], $0x4000, s10, s18, $0x38;
	[tilespmem:$0x10000] =	vst v63  }
.LBB1_5:
0x23: {  	s22 =	sadd.s32 $0x80, s11  }
0x24: {  	s17 =	sadd.s32 $0x8, s12;
	s23 =	smov.u32 s12;
	p2 =	sgt.s32 s22, $0x17F  }
0x25: {  	s23 =	smov.u32 @p2 s17  }
0x26: {  	s24 =	smov.u32 s13;
	s17 =	sadd.s32 $0x80, s13;
	p3 =	sgt.s32 s23, $0x7  }
0x27: {  	s24 =	smov.u32 @p3 s17  }
0x28: {  	s25 =	smov.u32 s14;
	s17 =	sadd.s32 $0x2, s14;
	p4 =	sgt.s32 s24, $0x17F  }
0x29: {  	p1 =	slt.u32 s16, $0x2;
	s26 =	smov.u32 s15;
	s25 =	smov.u32 @p4 s17  }
0x2a: {  	s20 =	smov.u32 s11;
	s17 =	sadd.s32 $0x2, s15;
	p5 =	sgt.s32 s25, $0xB  }
0x2b: {  	s21 =	smov.u32 s13;
	s18 =	smov.u32 s14;
	s26 =	smov.u32 @p5 s17  }
0x2c: {  	s19 =	smov.u32 s15;
	s22 =	simm.s32 @p2 $0x0;
	p2 =	sgt.s32 s26, $0x1  }
0x2d: {  	s27 =	simm.s32 @!p1 $0x2;
	s26 =	smov.u32 @p2 s1;
	p2 =	sne.s32 s16, s9  }
.Ltmp1:
0x2e: {  	p0 =	por !p0, !p0;
	_ =	swait.ge @!p1 [sflag:s27], $0x4000;
	(pc) =	sbr.rel @!p2 .LBB1_6-.Ltmp1, $4  }
0x2f: {  	[sflag:s27] =	ssyncset.done @!p1 $0x0;
	s11 =	smov.u32 s22;
	s24 =	simm.s32 @p4 $0x0  }
0x30: {  	s23 =	smov.u32 @p3 s8;
	[sflag:s27] =	ssyncadd.s32 @!p1 $0xFFFFC000;
	s13 =	smov.u32 s24  }
0x31: {  	s25 =	smov.u32 @p5 s2;
	s17 =	smov.u32 s12;
	s12 =	smov.u32 s23  }
0x32: {  	s14 =	smov.u32 s25;
	s16 =	sadd.s32 $0x1, s16;
	s15 =	smov.u32 s26  }
.LBB1_1:
0x33: {  	p1 =	sge.u32 s16, s7  }
0x34: {  	s22 =	sshrl.u32 @!p1 s12, $0x3  }
0x35: {  	s23 =	sshll.u32 @!p1 s11, $0x3;
	s22 =	smul.u32 @!p1 $0xC00, s22  }
0x36: {  	s24 =	sshll.u32 @!p1 s12, $0x7;
	s23 =	sand.u32 @!p1 $0xFFFFFC00, s23  }
0x37: {  	s22 =	sadd.s32 @!p1 s22, s23;
	s23 =	sand.u32 @!p1 $0x380, s24  }
0x38: {  	s26 =	smul.u32 @!p1 $0x1B0000, s15;
	s24 =	sand.u32 @!p1 $0x7F, s11;
	s22 =	sor.u32 @!p1 s23, s22  }
0x39: {  	s27 =	smul.u32 @!p1 $0x24000, s14;
	s23 =	sor.u32 @!p1 s24, s22  }
0x3a: {  	s24 =	smulhi.u32 @!p1 $0xAAAAAAAB, s23  }
0x3b: {  	s22 =	smulhi.u32 @!p1 $0xAAAAAAAB, s22  }
0x3c: {  	s31 =	sadd.s32 $0xFFFFFFFF, s16;
	s28 =	smul.u32 @!p1 $0x180, s13;
	s24 =	sshrl.u32 @!p1 s24, $0x8  }
0x3d: {  	s25 =	sxor.u32 @!p1 $0xFFFFFFFF, s16;
	s22 =	sshrl.u32 @!p1 s22, $0x8;
	s24 =	smul.u32 @!p1 $0x180, s24  }
0x3e: {  	s25 =	sshll.u32 @!p1 s25, $0xE;
	s26 =	sadd.s32 @!p1 s5, s26;
	s22 =	sand.u32 @!p1 $0x7, s22  }
0x3f: {  	s22 =	smul.u32 @!p1 $0x30, s22;
	s23 =	ssub.s32 @!p1 s23, s24;
	s24 =	sadd.s32 @!p1 s27, s26  }
0x40: {  	s25 =	sand.u32 @!p1 $0x4000, s25;
	s24 =	sadd.s32 @!p1 s28, s24;
	s26 =	sand.u32 @!p1 $0x7, s23  }
0x41: {  	s23 =	sshrl.u32 @!p1 s23, $0x3;
	s22 =	sadd.s32 @!p1 s22, s24;
	s24 =	sshll.u32 @!p1 s26, $0x12  }
0x42: {  	s22 =	sadd.s32 @!p1 s23, s22;
	s23 =	sor.u32 @!p1 $0x80, s24;
	s24 =	simm.s32 @!p1 $0xC00  }
0x43: {  	[tilespmem:s25], [sflag:$0x1] =	stream.strided.gather @!p1 [hbm4b:s22+s23], $0x4000, s24, s23, $0x38;
	[tilespmem:$0x10000] =	vst v63  }
0x44: {  	p1 =	sge.u32 s31, s7  }
.Ltmp2:
0x45: {  	_ = 	snop;
	(pc) =	sbr.rel @p1 .LBB1_5-.Ltmp2, $1  }
0x46: {  	_ =	sdelay $0x3  }
0x47: {  	s22 =	simm.s32 $0x1  }
0x48: {  	s22 =	simm.s32 @!p0 $0x0  }
0x49: {  	s22 =	sshll.u32 s22, $0xE  }
0x4a: {  	s23 =	sor.u32 $0x70, s22  }
0x4b: {  	v1 =	vmov s23;
	_ =	sdelay $0x1  }
0x4c: {  	_ =	swait.ge [sflag:s6], $0x4000  }
0x4d: {  	[sflag:s6] =	ssyncset.done $0x0  }
0x4e: {  	s24 =	simm.s32 $0x0;
	[sflag:s6] =	ssyncadd.s32 $0xFFFFC000  }
0x4f: {  	s22 =	sor.u32 $0x8040, s22;
	v6 =	vld.idx.msk [tilespmem:v1+s24+$0x0 ss:$0x1], $0xffff  }
0x50: {  	v0 =	vmov s22;
	v8 =	vld.idx.msk [tilespmem:v1+s24+$0xFFFFFF90 ss:$0x1], $0xffff  }
0x51: {  	v7 =	vld.idx.msk [tilespmem:v1+s24+$0xFFFFFFA0 ss:$0x1], $0xffff  }
0x52: {  	v5 =	vld.idx.msk [tilespmem:v1+s24+$0xFFFFFFB0 ss:$0x1], $0xffff  }
0x53: {  	v4 =	vld.idx.msk [tilespmem:v1+s24+$0xFFFFFFC0 ss:$0x1], $0xffff  }
0x54: {  	s31 =	sshll.u32 s16, $0xE;
	v2 =	vld.idx.msk [tilespmem:v1+s24+$0xFFFFFFD0 ss:$0x1], $0xffff  }
0x55: {  	s22 =	sand.u32 $0x4000, s31;
	v3 =	vld.idx.msk [tilespmem:v1+s24+$0xFFFFFFE0 ss:$0x1], $0xffff;
	[tilespmem:v0+s24+$0x30 ss:$0x1] =	vst.idx.msk $0xffff, v6  }
0x56: {  	s25 =	simm.s32 $0x400;
	s23 =	simm.s32 $0x80;
	s22 =	sor.u32 $0x8000, s22;
	[tilespmem:v0+s24+$0xFFFFFFC0 ss:$0x1] =	vst.idx.msk $0xffff, v8;
	v6 =	vld.idx.msk [tilespmem:v1+s24+$0xFFFFFFF0 ss:$0x1], $0xffff  }
.LBB1_3:
0x57: {  	p1 =	sne.s32 s25, $0xFE00;
	v8 =	vld.idx.msk [tilespmem:v1+s23+$0x0 ss:$0x1], $0xffff;
	[tilespmem:v0+s24+$0xFFFFFFD0 ss:$0x1] =	vst.idx.msk $0xffff, v7  }
0x58: {  	v9 =	vld.idx.msk [tilespmem:v1+s23+$0xFFFFFF90 ss:$0x1], $0xffff;
	[tilespmem:v0+s24+$0xFFFFFFE0 ss:$0x1] =	vst.idx.msk $0xffff, v5  }
0x59: {  	v7 =	vld.idx.msk [tilespmem:v1+s23+$0xFFFFFFA0 ss:$0x1], $0xffff;
	[tilespmem:v0+s24+$0xFFFFFFF0 ss:$0x1] =	vst.idx.msk $0xffff, v4  }
.Ltmp3:
0x5a: {  	v5 =	vld.idx.msk [tilespmem:v1+s23+$0xFFFFFFB0 ss:$0x1], $0xffff;
	[tilespmem:v0+s24+$0x0 ss:$0x1] =	vst.idx.msk $0xffff, v2;
	(pc) =	sbr.rel @p1 .LBB1_3-.Ltmp3, $4  }
0x5b: {  	v4 =	vld.idx.msk [tilespmem:v1+s23+$0xFFFFFFC0 ss:$0x1], $0xffff;
	[tilespmem:v0+s24+$0x10 ss:$0x1] =	vst.idx.msk $0xffff, v3  }
0x5c: {  	v2 =	vld.idx.msk [tilespmem:v1+s23+$0xFFFFFFD0 ss:$0x1], $0xffff;
	[tilespmem:v0+s24+$0x20 ss:$0x1] =	vst.idx.msk $0xffff, v6;
	s24 =	smov.u32 s23  }
0x5d: {  	v3 =	vld.idx.msk [tilespmem:v1+s24+$0xFFFFFFE0 ss:$0x1], $0xffff;
	[tilespmem:v0+s24+$0x30 ss:$0x1] =	vst.idx.msk $0xffff, v8  }
0x5e: {  	s23 =	sshra.s32 s25, $0x2;
	s25 =	sadd.s32 $0x200, s25;
	[tilespmem:v0+s24+$0xFFFFFFC0 ss:$0x1] =	vst.idx.msk $0xffff, v9;
	v6 =	vld.idx.msk [tilespmem:v1+s24+$0xFFFFFFF0 ss:$0x1], $0xffff  }
.Ltmp4:
0x5f: {  	_ = 	snop;
	(pc) =	sbr.rel .LBB1_4-.Ltmp4, $1  }
0x60: {  	_ =	sdelay $0x3  }
.LBB1_6:
0x61: {  	_ =	sfence.sel $0x180000  }
0x62: {  	s1 =	simm.s32 $0x1;
	[bflag:$0x0] =	sbarrier.arrive $0xFFFF  }
0x63: {  	s31 =	simm.s32 $0x2;
	[sflag:s1] =	ssyncpa.u1 $0x1  }
0x64: {  	[sflag:s31] =	ssyncpa.u1 $0x1  }
0x65: {  	p0 =	sne.s32 s0, $0x0;
	_ =	strace $0x9000004A  }
0x66: {  	s0 =	sadd.s32 @!p0 $0x100000, s3;
	[bflag:$0x2] =	sbarrier.arrive $0xFFFF  }
0x67: {  	[sflag:s0] =	ssyncadd.tile.s32 @!p0 $0x1;
	_ =	shalt  }
.Lfunc_end1:
_tile_overlayer_lowered:
.L_overlay_start_2:
0x68: {  	(tag) =	ssettag $0x2  }
0x69: {  	s0 =	rddreg [dreg:$0x0];
	s2 =	stileid.u32  }
0x6a: {  	s1 =	rddreg [dreg:$0x1];
	p0 =	sne.s32 s2, $0x0  }
0x6b: {  	s3 =	rddreg [dreg:$0x2];
	[bflag:$0x3] =	sbarrier.arrive $0xFFFF;
	s2 =	simm.s32 @!p0 $0x1C01  }
0x6c: {  	[timem:s3], [sflag:s2] =	dma.local @!p0 [hbm:s0], s1  }
0x6d: {  	s0 =	simm.s32 @!p0 $0x1  }
0x6e: {  	_ =	swait.ge @!p0 [sflag:s0], s1  }
0x6f: {  	s1 =	ssub.s32 @!p0 $0x0, s1;
	[sflag:s0] =	ssyncset.done @!p0 $0x0  }
0x70: {  	[sflag:s0] =	ssyncadd.s32 @!p0 s1  }
0x71: {  	[bflag:$0x3] =	sbarrier.arrive $0xFFFF  }
0x72: {  	_ =	shalt  }

</sc_bundles>
